<compile_context>
chip_gen: v7x
topology: tpu7x:2x2x1
jax: 0.10.2.dev20260603
libtpu: 0.0.44.dev20260713+nightly
codegen_flags: <defaults>
</compile_context>

<pallas_src>
import jax
import jax.numpy as jnp
from jax.experimental import pallas as pl
from jax.experimental.pallas import tpu as pltpu
from jax.experimental.pallas import tpu_sc as plsc

NUM_CODES = 1024
DIM = 512
ROWS = 8192
BLK = 512
NBLK = ROWS // BLK
BETA = 0.25

R_SUB = 64
N_CHUNK = 128
N_BLOCK = 256

N_WORKERS = 32
ROWS_PER_W = ROWS // N_WORKERS
G_CHUNK = 64
N_GCHUNK = ROWS_PER_W // G_CHUNK


def _dist_kernel(z_ref, w_ref, idx_ref, loss_ref, acc_ref, ws_ref):
    b = pl.program_id(0)

    @pl.when(b == 0)
    def _():
        w0 = w_ref[...]
        ws_ref[0, :] = jnp.sum(w0 * w0, axis=1)
        acc_ref[0] = 0.0

    z = z_ref[...]
    z2 = z + z
    w = w_ref[...]
    mm2 = [
        jax.lax.dot_general(
            z2, w[i * N_BLOCK:(i + 1) * N_BLOCK, :],
            (((1,), (1,)), ((), ())),
            preferred_element_type=jnp.float32,
            precision=jax.lax.Precision.DEFAULT,
        )
        for i in range(NUM_CODES // N_BLOCK)
    ]
    rs = jnp.sum(z * z, axis=1, keepdims=True)
    nrs = -rs
    ws = ws_ref[0, :]

    part = None
    for r in range(BLK // R_SUB):
        rsl = slice(r * R_SUB, (r + 1) * R_SUB)
        nrb = nrs[rsl]
        m = None
        cid = None
        for c in range(NUM_CODES // N_CHUNK):
            csl = slice(c * N_CHUNK, (c + 1) * N_CHUNK)
            mm_tile = mm2[(c * N_CHUNK) // N_BLOCK]
            col = (c * N_CHUNK) % N_BLOCK
            t = nrb - ws[None, csl]
            d = t + mm_tile[rsl, col:col + N_CHUNK]
            if c == 0:
                m = d
                cid = jnp.zeros((R_SUB, N_CHUNK), jnp.int32)
            else:
                cond = d > m
                m = jnp.where(cond, d, m)
                cid = jnp.where(cond, c * N_CHUNK, cid)
        M = jnp.max(m, axis=1)
        lane = jax.lax.broadcasted_iota(jnp.int32, (R_SUB, N_CHUNK), 1)
        gid = cid + lane
        idxr = jnp.min(jnp.where(m == M[:, None], gid, NUM_CODES), axis=1)
        idx_ref[0, r * R_SUB:(r + 1) * R_SUB] = idxr
        psum = jnp.sum(-M)
        part = psum if part is None else part + psum
    acc_ref[0] += part

    @pl.when(b == pl.num_programs(0) - 1)
    def _():
        loss_ref[0, 0] = acc_ref[0]


N_HALF = 1
HROWS = ROWS // N_HALF
NBLK_H = HROWS // BLK


def _distance_argmax(z_flat, W, half):
    return pl.pallas_call(
        _dist_kernel,
        grid=(NBLK_H,),
        in_specs=[
            pl.BlockSpec((BLK, DIM), lambda b: (b + half * NBLK_H, 0)),
            pl.BlockSpec((NUM_CODES, DIM), lambda b: (0, 0)),
        ],
        out_specs=[
            pl.BlockSpec((1, BLK), lambda b: (0, b)),
            pl.BlockSpec(memory_space=pltpu.SMEM),
        ],
        out_shape=[
            jax.ShapeDtypeStruct((1, HROWS), jnp.int32),
            jax.ShapeDtypeStruct((1, 1), jnp.float32),
        ],
        scratch_shapes=[
            pltpu.SMEM((1,), jnp.float32),
            pltpu.VMEM((1, NUM_CODES), jnp.float32),
        ],
    )(z_flat, W)


HROWS_PER_W = HROWS // N_WORKERS
N_GCHUNK_H = HROWS_PER_W // G_CHUNK


def _sc_gather(W, idx2):
    mesh = plsc.VectorSubcoreMesh(core_axis_name="core",
                                  subcore_axis_name="subcore")

    @pl.kernel(out_type=jax.ShapeDtypeStruct((HROWS, DIM), W.dtype),
               mesh=mesh,
               scratch_types=[
                   pltpu.VMEM((1, HROWS_PER_W), jnp.int32),
                   pltpu.VMEM((G_CHUNK, DIM), W.dtype),
                   pltpu.VMEM((G_CHUNK, DIM), W.dtype),
                   pltpu.SemaphoreType.DMA,
                   pltpu.SemaphoreType.DMA,
               ])
    def gather_kernel(w_hbm, i_hbm, o_hbm, idx_v, g0, g1, gsem, osem):
        c = jax.lax.axis_index("core")
        s = jax.lax.axis_index("subcore")
        base = (c * 16 + s) * HROWS_PER_W
        pltpu.sync_copy(i_hbm.at[0, pl.ds(base, HROWS_PER_W)], idx_v.at[0])
        bufs = [g0, g1]
        n = N_GCHUNK_H

        def gath(k):
            return pltpu.make_async_copy(
                w_hbm.at[idx_v.at[0, pl.ds(k * G_CHUNK, G_CHUNK)]],
                bufs[k % 2], gsem)

        def outc(k):
            return pltpu.make_async_copy(
                bufs[k % 2],
                o_hbm.at[pl.ds(base + k * G_CHUNK, G_CHUNK), :], osem)

        gath(0).start()
        gath(1).start()
        for k in range(n):
            gath(k).wait()
            outc(k).start()
            if k + 2 < n:
                outc(k).wait()
                gath(k + 2).start()
        outc(n - 2).wait()
        outc(n - 1).wait()

    return gather_kernel(W, idx2)


def kernel(z, W):
    z_flat = z.reshape(ROWS, DIM)
    idx_pieces = []
    zq_pieces = []
    loss_sum = None
    for h in range(N_HALF):
        idx_h, loss_h = _distance_argmax(z_flat, W, h)
        zq_pieces.append(_sc_gather(W, idx_h))
        idx_pieces.append(idx_h)
        loss_sum = loss_h[0, 0] if loss_sum is None else loss_sum + loss_h[0, 0]
    loss = (1.0 + BETA) * loss_sum / (ROWS * DIM)
    if N_HALF == 1:
        z_q_st = zq_pieces[0].reshape(z.shape)
        encoding_indices = idx_pieces[0].reshape(z.shape[:-1])
    else:
        buf = jnp.zeros((ROWS, DIM), z.dtype)
        for h in range(N_HALF):
            buf = jax.lax.dynamic_update_slice(buf, zq_pieces[h],
                                               (h * HROWS, 0))
        z_q_st = buf.reshape(z.shape)
        encoding_indices = jnp.concatenate(idx_pieces, axis=1).reshape(
            z.shape[:-1])
    return (z_q_st, loss, encoding_indices)

# --- scband reference (transcript-rebuilt; emitter-appended) ---
"""Pipeline reference for scband-clustering-vector-quantiser-43267500540448 (READ-ONLY COPY).

The authoritative reference and input builder live on the scoring server;
editing this copy changes nothing except your own understanding.
"""

import jax, jax.numpy as jnp
import numpy as np

NUM_EMBED = 1024
EMBED_DIM = 512
BETA = 0.25


def setup_inputs(seed: int = 0) -> dict:
    key = jax.random.key(seed)
    k1, k2 = jax.random.split(key)
    z = jax.random.normal(k1, (8, 1024, EMBED_DIM), dtype=jnp.float32)
    # embedding weight initialised uniform(-1/num_embed, 1/num_embed)
    W = jax.random.uniform(k2, (NUM_EMBED, EMBED_DIM), dtype=jnp.float32,
                           minval=-1.0 / NUM_EMBED, maxval=1.0 / NUM_EMBED)
    return {"z": z, "W": W}


def reference(z, W):
    # eval-mode forward of ClusteringVectorQuantiser (distance='l2', mask=None)
    D = EMBED_DIM
    z_flat = z.reshape(-1, D)
    zf = jax.lax.stop_gradient(z_flat)
    # d = -|z|^2 - |e|^2 + 2 z e^T  (negative squared L2 distance)
    d = (-jnp.sum(zf ** 2, axis=1, keepdims=True)
         - jnp.sum(W ** 2, axis=1)
         + 2.0 * jnp.einsum('bd,dn->bn', zf, W.T))
    # torch: sort ascending then take indices[:, -1] == argmax over codes
    encoding_indices = jnp.argmax(d, axis=1)
    encodings = jax.nn.one_hot(encoding_indices, NUM_EMBED, dtype=z.dtype)
    z_q = jnp.matmul(encodings, W).reshape(z.shape)
    loss = (BETA * (jax.lax.stop_gradient(z_q) - z) ** 2
            + (z_q - jax.lax.stop_gradient(z)) ** 2)
    loss = jnp.mean(loss)
    # straight-through estimator
    z_q_st = z + jax.lax.stop_gradient(z_q - z)
    encoding_indices = encoding_indices.reshape(z.shape[:-1])
    return (z_q_st, loss, encoding_indices)

if __name__ == "__main__":
    import jax
    _d = setup_inputs()
    print(jax.jit(kernel)(*tuple(_d.values())))

</pallas_src>

<mosaic_0001>
#map = affine_map<(d0, d1) -> (0, 0)>
module attributes {stable_mosaic.version = 14 : i64} {
  func.func @gather_kernel(%arg0: i32, %arg1: i32, %arg2: memref<1024x512xf32, #tpu.memory_space<hbm>>, %arg3: memref<1x8192xi32, #tpu.memory_space<hbm>>, %arg4: memref<8192x512xf32, #tpu.memory_space<hbm>>, %arg5: memref<1x256xi32, #tpu.memory_space<vmem>>, %arg6: memref<64x512xf32, #tpu.memory_space<vmem>>, %arg7: memref<64x512xf32, #tpu.memory_space<vmem>>, %arg8: memref<!tpu.dma_semaphore, #tpu.memory_space<semaphore_mem>>, %arg9: memref<!tpu.dma_semaphore, #tpu.memory_space<semaphore_mem>>) attributes {dimension_semantics = [#tpu.dimension_semantics<core_parallel>, #tpu.dimension_semantics<subcore_parallel>], iteration_bounds = array<i64: 2, 16>, scalar_prefetch = 0 : i64, scratch_operands = 5 : i64, tpu.core_type = #tpu.core_type<sc_vector_subcore>, window_params = [{transform_indices = #map}, {transform_indices = #map}, {transform_indices = #map}]} {
    %mul3A = arith.constant 16 : i32
    %mul3A_0 = arith.muli %arg0, %mul3A : i32
    %add3A = arith.addi %mul3A_0, %arg1 : i32
    %mul3A_1 = arith.constant 256 : i32
    %mul3A_2 = arith.muli %add3A, %mul3A_1 : i32
    %run_scoped3A = arith.constant 0 : i32
    %run_scoped3A_3 = arith.constant 0 : i32
    "tpu.region"() ({
      %run_scoped3A_106 = tpu.sem_alloc : memref<!tpu.dma_semaphore, #tpu.memory_space<semaphore_mem>>
      %dma_start3A_107 = arith.constant 0 : i32
      %dma_start3A_108 = tpu.memref_slice %arg5[%run_scoped3A_3, %dma_start3A_107] : memref<1x256xi32, #tpu.memory_space<vmem>> -> memref<1x256xi32, #tpu.memory_space<vmem>>
      %dma_start3A_109 = tpu.memref_squeeze %dma_start3A_108 : memref<1x256xi32, #tpu.memory_space<vmem>> -> memref<256xi32, #tpu.memory_space<vmem>>
      %dma_start3A_110 = tpu.memref_slice %arg3[%run_scoped3A, %mul3A_2] : memref<1x8192xi32, #tpu.memory_space<hbm>> -> memref<1x256xi32, #tpu.memory_space<hbm>>
      %dma_start3A_111 = tpu.memref_squeeze %dma_start3A_110 : memref<1x256xi32, #tpu.memory_space<hbm>> -> memref<256xi32, #tpu.memory_space<hbm>>
      %dma_start3A_112 = arith.constant 0 : i32
      %dma_start3A_113 = tpu.memref_slice %arg5[%run_scoped3A_3, %dma_start3A_112] : memref<1x256xi32, #tpu.memory_space<vmem>> -> memref<1x256xi32, #tpu.memory_space<vmem>>
      %dma_start3A_114 = tpu.memref_squeeze %dma_start3A_113 : memref<1x256xi32, #tpu.memory_space<vmem>> -> memref<256xi32, #tpu.memory_space<vmem>>
      %dma_start3A_115 = tpu.memref_slice %arg3[%run_scoped3A, %mul3A_2] : memref<1x8192xi32, #tpu.memory_space<hbm>> -> memref<1x256xi32, #tpu.memory_space<hbm>>
      %dma_start3A_116 = tpu.memref_squeeze %dma_start3A_115 : memref<1x256xi32, #tpu.memory_space<hbm>> -> memref<256xi32, #tpu.memory_space<hbm>>
      tpu.enqueue_dma source(%dma_start3A_116 : memref<256xi32, #tpu.memory_space<hbm>>) target(%dma_start3A_114 : memref<256xi32, #tpu.memory_space<vmem>>) target_semaphore(%run_scoped3A_106 : memref<!tpu.dma_semaphore, #tpu.memory_space<semaphore_mem>>)
      %dma_wait3A_117 = arith.constant 0 : i32
      %dma_wait3A_118 = tpu.memref_slice %arg5[%run_scoped3A_3, %dma_wait3A_117] : memref<1x256xi32, #tpu.memory_space<vmem>> -> memref<1x256xi32, #tpu.memory_space<vmem>>
      %dma_wait3A_119 = tpu.memref_squeeze %dma_wait3A_118 : memref<1x256xi32, #tpu.memory_space<vmem>> -> memref<256xi32, #tpu.memory_space<vmem>>
      %dma_wait3A_120 = tpu.memref_slice %arg3[%run_scoped3A, %mul3A_2] : memref<1x8192xi32, #tpu.memory_space<hbm>> -> memref<1x256xi32, #tpu.memory_space<hbm>>
      %dma_wait3A_121 = tpu.memref_squeeze %dma_wait3A_120 : memref<1x256xi32, #tpu.memory_space<hbm>> -> memref<256xi32, #tpu.memory_space<hbm>>
      %dma_wait3A_122 = arith.constant 0 : i32
      %dma_wait3A_123 = tpu.memref_slice %arg5[%run_scoped3A_3, %dma_wait3A_122] : memref<1x256xi32, #tpu.memory_space<vmem>> -> memref<1x256xi32, #tpu.memory_space<vmem>>
      %dma_wait3A_124 = tpu.memref_squeeze %dma_wait3A_123 : memref<1x256xi32, #tpu.memory_space<vmem>> -> memref<256xi32, #tpu.memory_space<vmem>>
      %dma_wait3A_125 = tpu.memref_slice %arg3[%run_scoped3A, %mul3A_2] : memref<1x8192xi32, #tpu.memory_space<hbm>> -> memref<1x256xi32, #tpu.memory_space<hbm>>
      %dma_wait3A_126 = tpu.memref_squeeze %dma_wait3A_125 : memref<1x256xi32, #tpu.memory_space<hbm>> -> memref<256xi32, #tpu.memory_space<hbm>>
      tpu.wait_dma2 semaphore(%run_scoped3A_106 : memref<!tpu.dma_semaphore, #tpu.memory_space<semaphore_mem>>) src(%dma_wait3A_126 : memref<256xi32, #tpu.memory_space<hbm>>) dst(%dma_wait3A_124 : memref<256xi32, #tpu.memory_space<vmem>>)
      tpu.yield
    }) : () -> ()
    %dma_start3A = arith.constant 0 : i32
    %dma_start3A_4 = arith.constant 0 : i32
    %dma_start3A_5 = tpu.memref_slice %arg5[%dma_start3A, %dma_start3A_4] : memref<1x256xi32, #tpu.memory_space<vmem>> -> memref<1x64xi32, #tpu.memory_space<vmem>>
    %dma_start3A_6 = tpu.memref_squeeze %dma_start3A_5 : memref<1x64xi32, #tpu.memory_space<vmem>> -> memref<64xi32, #tpu.memory_space<vmem>>
    %dma_start3A_7 = arith.constant 0 : i32
    %dma_start3A_8 = arith.constant 0 : i32
    %dma_start3A_9 = tpu.memref_slice %arg2[%dma_start3A_7, %dma_start3A_8] : memref<1024x512xf32, #tpu.memory_space<hbm>> -> memref<1024x512xf32, #tpu.memory_space<hbm>>
    tpu.enqueue_indirect_dma source(%dma_start3A_9 : memref<1024x512xf32, #tpu.memory_space<hbm>>) target(%arg6 : memref<64x512xf32, #tpu.memory_space<vmem>>) offsets(%dma_start3A_6 : memref<64xi32, #tpu.memory_space<vmem>>) semaphore(%arg8 : memref<!tpu.dma_semaphore, #tpu.memory_space<semaphore_mem>>)
    %dma_start3A_10 = arith.constant 0 : i32
    %dma_start3A_11 = arith.constant 64 : i32
    %dma_start3A_12 = tpu.memref_slice %arg5[%dma_start3A_10, %dma_start3A_11] : memref<1x256xi32, #tpu.memory_space<vmem>> -> memref<1x64xi32, #tpu.memory_space<vmem>>
    %dma_start3A_13 = tpu.memref_squeeze %dma_start3A_12 : memref<1x64xi32, #tpu.memory_space<vmem>> -> memref<64xi32, #tpu.memory_space<vmem>>
    %dma_start3A_14 = arith.constant 0 : i32
    %dma_start3A_15 = arith.constant 0 : i32
    %dma_start3A_16 = tpu.memref_slice %arg2[%dma_start3A_14, %dma_start3A_15] : memref<1024x512xf32, #tpu.memory_space<hbm>> -> memref<1024x512xf32, #tpu.memory_space<hbm>>
    tpu.enqueue_indirect_dma source(%dma_start3A_16 : memref<1024x512xf32, #tpu.memory_space<hbm>>) target(%arg7 : memref<64x512xf32, #tpu.memory_space<vmem>>) offsets(%dma_start3A_13 : memref<64xi32, #tpu.memory_space<vmem>>) semaphore(%arg8 : memref<!tpu.dma_semaphore, #tpu.memory_space<semaphore_mem>>)
    %dma_wait3A = arith.constant 0 : i32
    %dma_wait3A_17 = arith.constant 0 : i32
    %dma_wait3A_18 = tpu.memref_slice %arg5[%dma_wait3A, %dma_wait3A_17] : memref<1x256xi32, #tpu.memory_space<vmem>> -> memref<1x64xi32, #tpu.memory_space<vmem>>
    %dma_wait3A_19 = tpu.memref_squeeze %dma_wait3A_18 : memref<1x64xi32, #tpu.memory_space<vmem>> -> memref<64xi32, #tpu.memory_space<vmem>>
    %dma_wait3A_20 = arith.constant 0 : i32
    %dma_wait3A_21 = arith.constant 0 : i32
    %dma_wait3A_22 = tpu.memref_slice %arg2[%dma_wait3A_20, %dma_wait3A_21] : memref<1024x512xf32, #tpu.memory_space<hbm>> -> memref<1024x512xf32, #tpu.memory_space<hbm>>
    tpu.wait_indirect_dma semaphore(%arg8 : memref<!tpu.dma_semaphore, #tpu.memory_space<semaphore_mem>>) src(%dma_wait3A_22 : memref<1024x512xf32, #tpu.memory_space<hbm>>) dst(%arg6 : memref<64x512xf32, #tpu.memory_space<vmem>>)
    %add3A_23 = arith.constant 0 : i32
    %add3A_24 = arith.addi %mul3A_2, %add3A_23 : i32
    %dma_start3A_25 = arith.constant 0 : i32
    %dma_start3A_26 = tpu.memref_slice %arg4[%add3A_24, %dma_start3A_25] : memref<8192x512xf32, #tpu.memory_space<hbm>> -> memref<64x512xf32, #tpu.memory_space<hbm>>
    %dma_start3A_27 = arith.constant 0 : i32
    %dma_start3A_28 = tpu.memref_slice %arg4[%add3A_24, %dma_start3A_27] : memref<8192x512xf32, #tpu.memory_space<hbm>> -> memref<64x512xf32, #tpu.memory_space<hbm>>
    tpu.enqueue_dma source(%arg6 : memref<64x512xf32, #tpu.memory_space<vmem>>) target(%dma_start3A_28 : memref<64x512xf32, #tpu.memory_space<hbm>>) target_semaphore(%arg9 : memref<!tpu.dma_semaphore, #tpu.memory_space<semaphore_mem>>)
    %add3A_29 = arith.constant 0 : i32
    %add3A_30 = arith.addi %mul3A_2, %add3A_29 : i32
    %dma_wait3A_31 = arith.constant 0 : i32
    %dma_wait3A_32 = tpu.memref_slice %arg4[%add3A_30, %dma_wait3A_31] : memref<8192x512xf32, #tpu.memory_space<hbm>> -> memref<64x512xf32, #tpu.memory_space<hbm>>
    %dma_wait3A_33 = arith.constant 0 : i32
    %dma_wait3A_34 = tpu.memref_slice %arg4[%add3A_30, %dma_wait3A_33] : memref<8192x512xf32, #tpu.memory_space<hbm>> -> memref<64x512xf32, #tpu.memory_space<hbm>>
    tpu.wait_dma2 semaphore(%arg9 : memref<!tpu.dma_semaphore, #tpu.memory_space<semaphore_mem>>) src(%arg6 : memref<64x512xf32, #tpu.memory_space<vmem>>) dst(%dma_wait3A_34 : memref<64x512xf32, #tpu.memory_space<hbm>>)
    %dma_start3A_35 = arith.constant 0 : i32
    %dma_start3A_36 = arith.constant 128 : i32
    %dma_start3A_37 = tpu.memref_slice %arg5[%dma_start3A_35, %dma_start3A_36] : memref<1x256xi32, #tpu.memory_space<vmem>> -> memref<1x64xi32, #tpu.memory_space<vmem>>
    %dma_start3A_38 = tpu.memref_squeeze %dma_start3A_37 : memref<1x64xi32, #tpu.memory_space<vmem>> -> memref<64xi32, #tpu.memory_space<vmem>>
    %dma_start3A_39 = arith.constant 0 : i32
    %dma_start3A_40 = arith.constant 0 : i32
    %dma_start3A_41 = tpu.memref_slice %arg2[%dma_start3A_39, %dma_start3A_40] : memref<1024x512xf32, #tpu.memory_space<hbm>> -> memref<1024x512xf32, #tpu.memory_space<hbm>>
    tpu.enqueue_indirect_dma source(%dma_start3A_41 : memref<1024x512xf32, #tpu.memory_space<hbm>>) target(%arg6 : memref<64x512xf32, #tpu.memory_space<vmem>>) offsets(%dma_start3A_38 : memref<64xi32, #tpu.memory_space<vmem>>) semaphore(%arg8 : memref<!tpu.dma_semaphore, #tpu.memory_space<semaphore_mem>>)
    %dma_wait3A_42 = arith.constant 0 : i32
    %dma_wait3A_43 = arith.constant 64 : i32
    %dma_wait3A_44 = tpu.memref_slice %arg5[%dma_wait3A_42, %dma_wait3A_43] : memref<1x256xi32, #tpu.memory_space<vmem>> -> memref<1x64xi32, #tpu.memory_space<vmem>>
    %dma_wait3A_45 = tpu.memref_squeeze %dma_wait3A_44 : memref<1x64xi32, #tpu.memory_space<vmem>> -> memref<64xi32, #tpu.memory_space<vmem>>
    %dma_wait3A_46 = arith.constant 0 : i32
    %dma_wait3A_47 = arith.constant 0 : i32
    %dma_wait3A_48 = tpu.memref_slice %arg2[%dma_wait3A_46, %dma_wait3A_47] : memref<1024x512xf32, #tpu.memory_space<hbm>> -> memref<1024x512xf32, #tpu.memory_space<hbm>>
    tpu.wait_indirect_dma semaphore(%arg8 : memref<!tpu.dma_semaphore, #tpu.memory_space<semaphore_mem>>) src(%dma_wait3A_48 : memref<1024x512xf32, #tpu.memory_space<hbm>>) dst(%arg7 : memref<64x512xf32, #tpu.memory_space<vmem>>)
    %add3A_49 = arith.constant 64 : i32
    %add3A_50 = arith.addi %mul3A_2, %add3A_49 : i32
    %dma_start3A_51 = arith.constant 0 : i32
    %dma_start3A_52 = tpu.memref_slice %arg4[%add3A_50, %dma_start3A_51] : memref<8192x512xf32, #tpu.memory_space<hbm>> -> memref<64x512xf32, #tpu.memory_space<hbm>>
    %dma_start3A_53 = arith.constant 0 : i32
    %dma_start3A_54 = tpu.memref_slice %arg4[%add3A_50, %dma_start3A_53] : memref<8192x512xf32, #tpu.memory_space<hbm>> -> memref<64x512xf32, #tpu.memory_space<hbm>>
    tpu.enqueue_dma source(%arg7 : memref<64x512xf32, #tpu.memory_space<vmem>>) target(%dma_start3A_54 : memref<64x512xf32, #tpu.memory_space<hbm>>) target_semaphore(%arg9 : memref<!tpu.dma_semaphore, #tpu.memory_space<semaphore_mem>>)
    %add3A_55 = arith.constant 64 : i32
    %add3A_56 = arith.addi %mul3A_2, %add3A_55 : i32
    %dma_wait3A_57 = arith.constant 0 : i32
    %dma_wait3A_58 = tpu.memref_slice %arg4[%add3A_56, %dma_wait3A_57] : memref<8192x512xf32, #tpu.memory_space<hbm>> -> memref<64x512xf32, #tpu.memory_space<hbm>>
    %dma_wait3A_59 = arith.constant 0 : i32
    %dma_wait3A_60 = tpu.memref_slice %arg4[%add3A_56, %dma_wait3A_59] : memref<8192x512xf32, #tpu.memory_space<hbm>> -> memref<64x512xf32, #tpu.memory_space<hbm>>
    tpu.wait_dma2 semaphore(%arg9 : memref<!tpu.dma_semaphore, #tpu.memory_space<semaphore_mem>>) src(%arg7 : memref<64x512xf32, #tpu.memory_space<vmem>>) dst(%dma_wait3A_60 : memref<64x512xf32, #tpu.memory_space<hbm>>)
    %dma_start3A_61 = arith.constant 0 : i32
    %dma_start3A_62 = arith.constant 192 : i32
    %dma_start3A_63 = tpu.memref_slice %arg5[%dma_start3A_61, %dma_start3A_62] : memref<1x256xi32, #tpu.memory_space<vmem>> -> memref<1x64xi32, #tpu.memory_space<vmem>>
    %dma_start3A_64 = tpu.memref_squeeze %dma_start3A_63 : memref<1x64xi32, #tpu.memory_space<vmem>> -> memref<64xi32, #tpu.memory_space<vmem>>
    %dma_start3A_65 = arith.constant 0 : i32
    %dma_start3A_66 = arith.constant 0 : i32
    %dma_start3A_67 = tpu.memref_slice %arg2[%dma_start3A_65, %dma_start3A_66] : memref<1024x512xf32, #tpu.memory_space<hbm>> -> memref<1024x512xf32, #tpu.memory_space<hbm>>
    tpu.enqueue_indirect_dma source(%dma_start3A_67 : memref<1024x512xf32, #tpu.memory_space<hbm>>) target(%arg7 : memref<64x512xf32, #tpu.memory_space<vmem>>) offsets(%dma_start3A_64 : memref<64xi32, #tpu.memory_space<vmem>>) semaphore(%arg8 : memref<!tpu.dma_semaphore, #tpu.memory_space<semaphore_mem>>)
    %dma_wait3A_68 = arith.constant 0 : i32
    %dma_wait3A_69 = arith.constant 128 : i32
    %dma_wait3A_70 = tpu.memref_slice %arg5[%dma_wait3A_68, %dma_wait3A_69] : memref<1x256xi32, #tpu.memory_space<vmem>> -> memref<1x64xi32, #tpu.memory_space<vmem>>
    %dma_wait3A_71 = tpu.memref_squeeze %dma_wait3A_70 : memref<1x64xi32, #tpu.memory_space<vmem>> -> memref<64xi32, #tpu.memory_space<vmem>>
    %dma_wait3A_72 = arith.constant 0 : i32
    %dma_wait3A_73 = arith.constant 0 : i32
    %dma_wait3A_74 = tpu.memref_slice %arg2[%dma_wait3A_72, %dma_wait3A_73] : memref<1024x512xf32, #tpu.memory_space<hbm>> -> memref<1024x512xf32, #tpu.memory_space<hbm>>
    tpu.wait_indirect_dma semaphore(%arg8 : memref<!tpu.dma_semaphore, #tpu.memory_space<semaphore_mem>>) src(%dma_wait3A_74 : memref<1024x512xf32, #tpu.memory_space<hbm>>) dst(%arg6 : memref<64x512xf32, #tpu.memory_space<vmem>>)
    %add3A_75 = arith.constant 128 : i32
    %add3A_76 = arith.addi %mul3A_2, %add3A_75 : i32
    %dma_start3A_77 = arith.constant 0 : i32
    %dma_start3A_78 = tpu.memref_slice %arg4[%add3A_76, %dma_start3A_77] : memref<8192x512xf32, #tpu.memory_space<hbm>> -> memref<64x512xf32, #tpu.memory_space<hbm>>
    %dma_start3A_79 = arith.constant 0 : i32
    %dma_start3A_80 = tpu.memref_slice %arg4[%add3A_76, %dma_start3A_79] : memref<8192x512xf32, #tpu.memory_space<hbm>> -> memref<64x512xf32, #tpu.memory_space<hbm>>
    tpu.enqueue_dma source(%arg6 : memref<64x512xf32, #tpu.memory_space<vmem>>) target(%dma_start3A_80 : memref<64x512xf32, #tpu.memory_space<hbm>>) target_semaphore(%arg9 : memref<!tpu.dma_semaphore, #tpu.memory_space<semaphore_mem>>)
    %dma_wait3A_81 = arith.constant 0 : i32
    %dma_wait3A_82 = arith.constant 192 : i32
    %dma_wait3A_83 = tpu.memref_slice %arg5[%dma_wait3A_81, %dma_wait3A_82] : memref<1x256xi32, #tpu.memory_space<vmem>> -> memref<1x64xi32, #tpu.memory_space<vmem>>
    %dma_wait3A_84 = tpu.memref_squeeze %dma_wait3A_83 : memref<1x64xi32, #tpu.memory_space<vmem>> -> memref<64xi32, #tpu.memory_space<vmem>>
    %dma_wait3A_85 = arith.constant 0 : i32
    %dma_wait3A_86 = arith.constant 0 : i32
    %dma_wait3A_87 = tpu.memref_slice %arg2[%dma_wait3A_85, %dma_wait3A_86] : memref<1024x512xf32, #tpu.memory_space<hbm>> -> memref<1024x512xf32, #tpu.memory_space<hbm>>
    tpu.wait_indirect_dma semaphore(%arg8 : memref<!tpu.dma_semaphore, #tpu.memory_space<semaphore_mem>>) src(%dma_wait3A_87 : memref<1024x512xf32, #tpu.memory_space<hbm>>) dst(%arg7 : memref<64x512xf32, #tpu.memory_space<vmem>>)
    %add3A_88 = arith.constant 192 : i32
    %add3A_89 = arith.addi %mul3A_2, %add3A_88 : i32
    %dma_start3A_90 = arith.constant 0 : i32
    %dma_start3A_91 = tpu.memref_slice %arg4[%add3A_89, %dma_start3A_90] : memref<8192x512xf32, #tpu.memory_space<hbm>> -> memref<64x512xf32, #tpu.memory_space<hbm>>
    %dma_start3A_92 = arith.constant 0 : i32
    %dma_start3A_93 = tpu.memref_slice %arg4[%add3A_89, %dma_start3A_92] : memref<8192x512xf32, #tpu.memory_space<hbm>> -> memref<64x512xf32, #tpu.memory_space<hbm>>
    tpu.enqueue_dma source(%arg7 : memref<64x512xf32, #tpu.memory_space<vmem>>) target(%dma_start3A_93 : memref<64x512xf32, #tpu.memory_space<hbm>>) target_semaphore(%arg9 : memref<!tpu.dma_semaphore, #tpu.memory_space<semaphore_mem>>)
    %add3A_94 = arith.constant 128 : i32
    %add3A_95 = arith.addi %mul3A_2, %add3A_94 : i32
    %dma_wait3A_96 = arith.constant 0 : i32
    %dma_wait3A_97 = tpu.memref_slice %arg4[%add3A_95, %dma_wait3A_96] : memref<8192x512xf32, #tpu.memory_space<hbm>> -> memref<64x512xf32, #tpu.memory_space<hbm>>
    %dma_wait3A_98 = arith.constant 0 : i32
    %dma_wait3A_99 = tpu.memref_slice %arg4[%add3A_95, %dma_wait3A_98] : memref<8192x512xf32, #tpu.memory_space<hbm>> -> memref<64x512xf32, #tpu.memory_space<hbm>>
    tpu.wait_dma2 semaphore(%arg9 : memref<!tpu.dma_semaphore, #tpu.memory_space<semaphore_mem>>) src(%arg6 : memref<64x512xf32, #tpu.memory_space<vmem>>) dst(%dma_wait3A_99 : memref<64x512xf32, #tpu.memory_space<hbm>>)
    %add3A_100 = arith.constant 192 : i32
    %add3A_101 = arith.addi %mul3A_2, %add3A_100 : i32
    %dma_wait3A_102 = arith.constant 0 : i32
    %dma_wait3A_103 = tpu.memref_slice %arg4[%add3A_101, %dma_wait3A_102] : memref<8192x512xf32, #tpu.memory_space<hbm>> -> memref<64x512xf32, #tpu.memory_space<hbm>>
    %dma_wait3A_104 = arith.constant 0 : i32
    %dma_wait3A_105 = tpu.memref_slice %arg4[%add3A_101, %dma_wait3A_104] : memref<8192x512xf32, #tpu.memory_space<hbm>> -> memref<64x512xf32, #tpu.memory_space<hbm>>
    tpu.wait_dma2 semaphore(%arg9 : memref<!tpu.dma_semaphore, #tpu.memory_space<semaphore_mem>>) src(%arg7 : memref<64x512xf32, #tpu.memory_space<vmem>>) dst(%dma_wait3A_105 : memref<64x512xf32, #tpu.memory_space<hbm>>)
    return
  }
}

module attributes {stable_mosaic.version = 14 : i64} {
  func.func @_dist_kernel(%arg0: i32, %arg1: memref<512x512xf32, #tpu.memory_space<vmem>>, %arg2: memref<1024x512xf32, #tpu.memory_space<vmem>>, %arg3: memref<1x512xi32, #tpu.memory_space<vmem>>, %arg4: memref<1x1xf32, #tpu.memory_space<smem>>, %arg5: memref<1xf32, #tpu.memory_space<smem>>, %arg6: memref<1x1024xf32, #tpu.memory_space<vmem>>) attributes {dimension_semantics = [#tpu.dimension_semantics<arbitrary>], iteration_bounds = array<i64: 16>, scalar_prefetch = 0 : i64, scratch_operands = 2 : i64, tpu.core_type = #tpu.core_type<tc>, window_params = [{transform_indices = @transform_0, window_bounds = array<i64: 512, 512>}, {pipeline_mode = #tpu.pipeline_mode<synchronous>, transform_indices = @transform_1, window_bounds = array<i64: 1024, 512>}, {transform_indices = @transform_2, window_bounds = array<i64: 1, 512>}, {transform_indices = @transform_3, window_bounds = array<i64: 1, 1>}]} {
    %eq3A = arith.constant 0 : i32
    %eq3A_0 = arith.cmpi eq, %arg0, %eq3A : i32
    %convert_element_type3A = arith.extui %eq3A_0 : i1 to i32
    %cond3A = arith.constant 0 : i32
    %cond3A_1 = arith.cmpi ne, %convert_element_type3A, %cond3A : i32
    scf.if %cond3A_1 {
      %get3A_985 = arith.constant 0 : index
      %get3A_986 = arith.constant 0 : index
      %get3A_987 = vector.load %arg2[%get3A_985, %get3A_986] : memref<1024x512xf32, #tpu.memory_space<vmem>>, vector<1024x512xf32>
      %mul3A_988 = arith.mulf %get3A_987, %get3A_987 : vector<1024x512xf32>
      %reduce_sum3A_989 = arith.constant dense<0.000000e+00> : vector<1024xf32>
      %reduce_sum3A_990 = vector.multi_reduction <add>, %mul3A_988, %reduce_sum3A_989 [1] : vector<1024x512xf32> to vector<1024xf32>
      %swap3A_991 = arith.constant 0 : index
      %swap3A_992 = arith.constant 0 : index
      %swap3A_993 = vector.load %arg6[%swap3A_991, %swap3A_992] : memref<1x1024xf32, #tpu.memory_space<vmem>>, vector<1x1024xf32>
      %swap3A_994 = vector.shape_cast %swap3A_993 : vector<1x1024xf32> to vector<1024xf32>
      %swap3A_995 = vector.shape_cast %reduce_sum3A_990 : vector<1024xf32> to vector<1x1024xf32>
      tpu.vector_store %arg6[%swap3A_991, %swap3A_992], %swap3A_995 {strides = array<i32>} : memref<1x1024xf32, #tpu.memory_space<vmem>>, vector<1x1024xf32>,
      %swap3A_996 = arith.constant 0.000000e+00 : f32
      %swap3A_997 = arith.constant 0 : index
      %swap3A_998 = memref.load %arg5[%swap3A_997] : memref<1xf32, #tpu.memory_space<smem>>
      memref.store %swap3A_996, %arg5[%swap3A_997] : memref<1xf32, #tpu.memory_space<smem>>
    } else {
    }
    %get3A = arith.constant 0 : index
    %get3A_2 = arith.constant 0 : index
    %get3A_3 = vector.load %arg1[%get3A, %get3A_2] : memref<512x512xf32, #tpu.memory_space<vmem>>, vector<512x512xf32>
    %add3A = arith.addf %get3A_3, %get3A_3 : vector<512x512xf32>
    %get3A_4 = arith.constant 0 : index
    %get3A_5 = arith.constant 0 : index
    %get3A_6 = vector.load %arg2[%get3A_4, %get3A_5] : memref<1024x512xf32, #tpu.memory_space<vmem>>, vector<1024x512xf32>
    %slice3A = vector.extract_strided_slice %get3A_6 {offsets = [0, 0], sizes = [256, 512], strides = [1, 1]} : vector<1024x512xf32> to vector<256x512xf32>
    %dot_general3A = arith.constant dense<0.000000e+00> : vector<512x256xf32>
    %dot_general3A_7 = tpu.matmul %add3A, %slice3A, %dot_general3A {dimension_numbers = #tpu.dot_dimension_numbers<[1], [1], [0], [0], [0, 0, 1, 0], [], []>, transpose_lhs_hint = false} : vector<512x512xf32>, vector<256x512xf32>, vector<512x256xf32> -> vector<512x256xf32>
    %slice3A_8 = vector.extract_strided_slice %get3A_6 {offsets = [256, 0], sizes = [256, 512], strides = [1, 1]} : vector<1024x512xf32> to vector<256x512xf32>
    %dot_general3A_9 = arith.constant dense<0.000000e+00> : vector<512x256xf32>
    %dot_general3A_10 = tpu.matmul %add3A, %slice3A_8, %dot_general3A_9 {dimension_numbers = #tpu.dot_dimension_numbers<[1], [1], [0], [0], [0, 0, 1, 0], [], []>, transpose_lhs_hint = false} : vector<512x512xf32>, vector<256x512xf32>, vector<512x256xf32> -> vector<512x256xf32>
    %slice3A_11 = vector.extract_strided_slice %get3A_6 {offsets = [512, 0], sizes = [256, 512], strides = [1, 1]} : vector<1024x512xf32> to vector<256x512xf32>
    %dot_general3A_12 = arith.constant dense<0.000000e+00> : vector<512x256xf32>
    %dot_general3A_13 = tpu.matmul %add3A, %slice3A_11, %dot_general3A_12 {dimension_numbers = #tpu.dot_dimension_numbers<[1], [1], [0], [0], [0, 0, 1, 0], [], []>, transpose_lhs_hint = false} : vector<512x512xf32>, vector<256x512xf32>, vector<512x256xf32> -> vector<512x256xf32>
    %slice3A_14 = vector.extract_strided_slice %get3A_6 {offsets = [768, 0], sizes = [256, 512], strides = [1, 1]} : vector<1024x512xf32> to vector<256x512xf32>
    %dot_general3A_15 = arith.constant dense<0.000000e+00> : vector<512x256xf32>
    %dot_general3A_16 = tpu.matmul %add3A, %slice3A_14, %dot_general3A_15 {dimension_numbers = #tpu.dot_dimension_numbers<[1], [1], [0], [0], [0, 0, 1, 0], [], []>, transpose_lhs_hint = false} : vector<512x512xf32>, vector<256x512xf32>, vector<512x256xf32> -> vector<512x256xf32>
    %mul3A = arith.mulf %get3A_3, %get3A_3 : vector<512x512xf32>
    %reduce_sum3A = arith.constant dense<0.000000e+00> : vector<512xf32>
    %reduce_sum3A_17 = vector.multi_reduction <add>, %mul3A, %reduce_sum3A [1] : vector<512x512xf32> to vector<512xf32>
    %broadcast_in_dim3A = vector.shape_cast %reduce_sum3A_17 : vector<512xf32> to vector<512x1xf32>
    %neg3A = arith.constant 0.000000e+00 : f32
    %neg3A_18 = vector.broadcast %neg3A : f32 to vector<512x1xf32>
    %neg3A_19 = arith.subf %neg3A_18, %broadcast_in_dim3A : vector<512x1xf32>
    %get3A_20 = arith.constant 0 : index
    %get3A_21 = arith.constant 0 : index
    %get3A_22 = vector.load %arg6[%get3A_20, %get3A_21] : memref<1x1024xf32, #tpu.memory_space<vmem>>, vector<1x1024xf32>
    %get3A_23 = vector.shape_cast %get3A_22 : vector<1x1024xf32> to vector<1024xf32>
    %slice3A_24 = vector.extract_strided_slice %neg3A_19 {offsets = [0, 0], sizes = [64, 1], strides = [1, 1]} : vector<512x1xf32> to vector<64x1xf32>
    %slice3A_25 = vector.extract_strided_slice %get3A_23 {offsets = [0], sizes = [128], strides = [1]} : vector<1024xf32> to vector<128xf32>
    %broadcast_in_dim3A_26 = vector.shape_cast %slice3A_25 : vector<128xf32> to vector<1x128xf32>
    %sub3A = vector.broadcast %slice3A_24 : vector<64x1xf32> to vector<64x128xf32>
    %sub3A_27 = vector.broadcast %broadcast_in_dim3A_26 : vector<1x128xf32> to vector<64x128xf32>
    %sub3A_28 = arith.subf %sub3A, %sub3A_27 : vector<64x128xf32>
    %slice3A_29 = vector.extract_strided_slice %dot_general3A_7 {offsets = [0, 0], sizes = [64, 128], strides = [1, 1]} : vector<512x256xf32> to vector<64x128xf32>
    %add3A_30 = arith.addf %sub3A_28, %slice3A_29 : vector<64x128xf32>
    %broadcast_in_dim3A_31 = arith.constant 0 : i32
    %broadcast_in_dim3A_32 = vector.broadcast %broadcast_in_dim3A_31 : i32 to vector<64x128xi32>
    %slice3A_33 = vector.extract_strided_slice %get3A_23 {offsets = [128], sizes = [128], strides = [1]} : vector<1024xf32> to vector<128xf32>
    %broadcast_in_dim3A_34 = vector.shape_cast %slice3A_33 : vector<128xf32> to vector<1x128xf32>
    %sub3A_35 = vector.broadcast %slice3A_24 : vector<64x1xf32> to vector<64x128xf32>
    %sub3A_36 = vector.broadcast %broadcast_in_dim3A_34 : vector<1x128xf32> to vector<64x128xf32>
    %sub3A_37 = arith.subf %sub3A_35, %sub3A_36 : vector<64x128xf32>
    %slice3A_38 = vector.extract_strided_slice %dot_general3A_7 {offsets = [0, 128], sizes = [64, 128], strides = [1, 1]} : vector<512x256xf32> to vector<64x128xf32>
    %add3A_39 = arith.addf %sub3A_37, %slice3A_38 : vector<64x128xf32>
    %gt3A = arith.cmpf ogt, %add3A_39, %add3A_30 : vector<64x128xf32>
    %select_n3A = arith.select %gt3A, %add3A_39, %add3A_30 : vector<64x128xi1>, vector<64x128xf32>
    %jit3A = arith.constant 128 : i32
    %broadcast_in_dim3A_40 = vector.broadcast %jit3A : i32 to vector<64x128xi32>
    %select_n3A_41 = arith.select %gt3A, %broadcast_in_dim3A_40, %broadcast_in_dim3A_32 : vector<64x128xi1>, vector<64x128xi32>
    %slice3A_42 = vector.extract_strided_slice %get3A_23 {offsets = [256], sizes = [128], strides = [1]} : vector<1024xf32> to vector<128xf32>
    %broadcast_in_dim3A_43 = vector.shape_cast %slice3A_42 : vector<128xf32> to vector<1x128xf32>
    %sub3A_44 = vector.broadcast %slice3A_24 : vector<64x1xf32> to vector<64x128xf32>
    %sub3A_45 = vector.broadcast %broadcast_in_dim3A_43 : vector<1x128xf32> to vector<64x128xf32>
    %sub3A_46 = arith.subf %sub3A_44, %sub3A_45 : vector<64x128xf32>
    %slice3A_47 = vector.extract_strided_slice %dot_general3A_10 {offsets = [0, 0], sizes = [64, 128], strides = [1, 1]} : vector<512x256xf32> to vector<64x128xf32>
    %add3A_48 = arith.addf %sub3A_46, %slice3A_47 : vector<64x128xf32>
    %gt3A_49 = arith.cmpf ogt, %add3A_48, %select_n3A : vector<64x128xf32>
    %select_n3A_50 = arith.select %gt3A_49, %add3A_48, %select_n3A : vector<64x128xi1>, vector<64x128xf32>
    %jit3A_51 = arith.constant 256 : i32
    %broadcast_in_dim3A_52 = vector.broadcast %jit3A_51 : i32 to vector<64x128xi32>
    %select_n3A_53 = arith.select %gt3A_49, %broadcast_in_dim3A_52, %select_n3A_41 : vector<64x128xi1>, vector<64x128xi32>
    %slice3A_54 = vector.extract_strided_slice %get3A_23 {offsets = [384], sizes = [128], strides = [1]} : vector<1024xf32> to vector<128xf32>
    %broadcast_in_dim3A_55 = vector.shape_cast %slice3A_54 : vector<128xf32> to vector<1x128xf32>
    %sub3A_56 = vector.broadcast %slice3A_24 : vector<64x1xf32> to vector<64x128xf32>
    %sub3A_57 = vector.broadcast %broadcast_in_dim3A_55 : vector<1x128xf32> to vector<64x128xf32>
    %sub3A_58 = arith.subf %sub3A_56, %sub3A_57 : vector<64x128xf32>
    %slice3A_59 = vector.extract_strided_slice %dot_general3A_10 {offsets = [0, 128], sizes = [64, 128], strides = [1, 1]} : vector<512x256xf32> to vector<64x128xf32>
    %add3A_60 = arith.addf %sub3A_58, %slice3A_59 : vector<64x128xf32>
    %gt3A_61 = arith.cmpf ogt, %add3A_60, %select_n3A_50 : vector<64x128xf32>
    %select_n3A_62 = arith.select %gt3A_61, %add3A_60, %select_n3A_50 : vector<64x128xi1>, vector<64x128xf32>
    %jit3A_63 = arith.constant 384 : i32
    %broadcast_in_dim3A_64 = vector.broadcast %jit3A_63 : i32 to vector<64x128xi32>
    %select_n3A_65 = arith.select %gt3A_61, %broadcast_in_dim3A_64, %select_n3A_53 : vector<64x128xi1>, vector<64x128xi32>
    %slice3A_66 = vector.extract_strided_slice %get3A_23 {offsets = [512], sizes = [128], strides = [1]} : vector<1024xf32> to vector<128xf32>
    %broadcast_in_dim3A_67 = vector.shape_cast %slice3A_66 : vector<128xf32> to vector<1x128xf32>
    %sub3A_68 = vector.broadcast %slice3A_24 : vector<64x1xf32> to vector<64x128xf32>
    %sub3A_69 = vector.broadcast %broadcast_in_dim3A_67 : vector<1x128xf32> to vector<64x128xf32>
    %sub3A_70 = arith.subf %sub3A_68, %sub3A_69 : vector<64x128xf32>
    %slice3A_71 = vector.extract_strided_slice %dot_general3A_13 {offsets = [0, 0], sizes = [64, 128], strides = [1, 1]} : vector<512x256xf32> to vector<64x128xf32>
    %add3A_72 = arith.addf %sub3A_70, %slice3A_71 : vector<64x128xf32>
    %gt3A_73 = arith.cmpf ogt, %add3A_72, %select_n3A_62 : vector<64x128xf32>
    %select_n3A_74 = arith.select %gt3A_73, %add3A_72, %select_n3A_62 : vector<64x128xi1>, vector<64x128xf32>
    %jit3A_75 = arith.constant 512 : i32
    %broadcast_in_dim3A_76 = vector.broadcast %jit3A_75 : i32 to vector<64x128xi32>
    %select_n3A_77 = arith.select %gt3A_73, %broadcast_in_dim3A_76, %select_n3A_65 : vector<64x128xi1>, vector<64x128xi32>
    %slice3A_78 = vector.extract_strided_slice %get3A_23 {offsets = [640], sizes = [128], strides = [1]} : vector<1024xf32> to vector<128xf32>
    %broadcast_in_dim3A_79 = vector.shape_cast %slice3A_78 : vector<128xf32> to vector<1x128xf32>
    %sub3A_80 = vector.broadcast %slice3A_24 : vector<64x1xf32> to vector<64x128xf32>
    %sub3A_81 = vector.broadcast %broadcast_in_dim3A_79 : vector<1x128xf32> to vector<64x128xf32>
    %sub3A_82 = arith.subf %sub3A_80, %sub3A_81 : vector<64x128xf32>
    %slice3A_83 = vector.extract_strided_slice %dot_general3A_13 {offsets = [0, 128], sizes = [64, 128], strides = [1, 1]} : vector<512x256xf32> to vector<64x128xf32>
    %add3A_84 = arith.addf %sub3A_82, %slice3A_83 : vector<64x128xf32>
    %gt3A_85 = arith.cmpf ogt, %add3A_84, %select_n3A_74 : vector<64x128xf32>
    %select_n3A_86 = arith.select %gt3A_85, %add3A_84, %select_n3A_74 : vector<64x128xi1>, vector<64x128xf32>
    %jit3A_87 = arith.constant 640 : i32
    %broadcast_in_dim3A_88 = vector.broadcast %jit3A_87 : i32 to vector<64x128xi32>
    %select_n3A_89 = arith.select %gt3A_85, %broadcast_in_dim3A_88, %select_n3A_77 : vector<64x128xi1>, vector<64x128xi32>
    %slice3A_90 = vector.extract_strided_slice %get3A_23 {offsets = [768], sizes = [128], strides = [1]} : vector<1024xf32> to vector<128xf32>
    %broadcast_in_dim3A_91 = vector.shape_cast %slice3A_90 : vector<128xf32> to vector<1x128xf32>
    %sub3A_92 = vector.broadcast %slice3A_24 : vector<64x1xf32> to vector<64x128xf32>
    %sub3A_93 = vector.broadcast %broadcast_in_dim3A_91 : vector<1x128xf32> to vector<64x128xf32>
    %sub3A_94 = arith.subf %sub3A_92, %sub3A_93 : vector<64x128xf32>
    %slice3A_95 = vector.extract_strided_slice %dot_general3A_16 {offsets = [0, 0], sizes = [64, 128], strides = [1, 1]} : vector<512x256xf32> to vector<64x128xf32>
    %add3A_96 = arith.addf %sub3A_94, %slice3A_95 : vector<64x128xf32>
    %gt3A_97 = arith.cmpf ogt, %add3A_96, %select_n3A_86 : vector<64x128xf32>
    %select_n3A_98 = arith.select %gt3A_97, %add3A_96, %select_n3A_86 : vector<64x128xi1>, vector<64x128xf32>
    %jit3A_99 = arith.constant 768 : i32
    %broadcast_in_dim3A_100 = vector.broadcast %jit3A_99 : i32 to vector<64x128xi32>
    %select_n3A_101 = arith.select %gt3A_97, %broadcast_in_dim3A_100, %select_n3A_89 : vector<64x128xi1>, vector<64x128xi32>
    %slice3A_102 = vector.extract_strided_slice %get3A_23 {offsets = [896], sizes = [128], strides = [1]} : vector<1024xf32> to vector<128xf32>
    %broadcast_in_dim3A_103 = vector.shape_cast %slice3A_102 : vector<128xf32> to vector<1x128xf32>
    %sub3A_104 = vector.broadcast %slice3A_24 : vector<64x1xf32> to vector<64x128xf32>
    %sub3A_105 = vector.broadcast %broadcast_in_dim3A_103 : vector<1x128xf32> to vector<64x128xf32>
    %sub3A_106 = arith.subf %sub3A_104, %sub3A_105 : vector<64x128xf32>
    %slice3A_107 = vector.extract_strided_slice %dot_general3A_16 {offsets = [0, 128], sizes = [64, 128], strides = [1, 1]} : vector<512x256xf32> to vector<64x128xf32>
    %add3A_108 = arith.addf %sub3A_106, %slice3A_107 : vector<64x128xf32>
    %gt3A_109 = arith.cmpf ogt, %add3A_108, %select_n3A_98 : vector<64x128xf32>
    %select_n3A_110 = arith.select %gt3A_109, %add3A_108, %select_n3A_98 : vector<64x128xi1>, vector<64x128xf32>
    %jit3A_111 = arith.constant 896 : i32
    %broadcast_in_dim3A_112 = vector.broadcast %jit3A_111 : i32 to vector<64x128xi32>
    %select_n3A_113 = arith.select %gt3A_109, %broadcast_in_dim3A_112, %select_n3A_101 : vector<64x128xi1>, vector<64x128xi32>
    %reduce_max3A = arith.constant dense<0xFF800000> : vector<64xf32>
    %reduce_max3A_114 = vector.multi_reduction <maximumf>, %select_n3A_110, %reduce_max3A [1] : vector<64x128xf32> to vector<64xf32>
    %iota3A = tpu.iota {dimensions = array<i32: 1>} : vector<64x128xi32>
    %add3A_115 = arith.addi %select_n3A_113, %iota3A : vector<64x128xi32>
    %broadcast_in_dim3A_116 = vector.shape_cast %reduce_max3A_114 : vector<64xf32> to vector<64x1xf32>
    %eq3A_117 = vector.broadcast %broadcast_in_dim3A_116 : vector<64x1xf32> to vector<64x128xf32>
    %eq3A_118 = arith.cmpf oeq, %select_n3A_110, %eq3A_117 : vector<64x128xf32>
    %jit3A_119 = arith.constant 1024 : i32
    %broadcast_in_dim3A_120 = vector.broadcast %jit3A_119 : i32 to vector<64x128xi32>
    %select_n3A_121 = arith.select %eq3A_118, %add3A_115, %broadcast_in_dim3A_120 : vector<64x128xi1>, vector<64x128xi32>
    %reduce_min3A = arith.constant dense<2147483647> : vector<64xi32>
    %reduce_min3A_122 = vector.multi_reduction <minsi>, %select_n3A_121, %reduce_min3A [1] : vector<64x128xi32> to vector<64xi32>
    %swap3A = arith.constant 0 : index
    %swap3A_123 = arith.constant 0 : index
    %swap3A_124 = vector.load %arg3[%swap3A, %swap3A_123] : memref<1x512xi32, #tpu.memory_space<vmem>>, vector<1x64xi32>
    %swap3A_125 = vector.shape_cast %swap3A_124 : vector<1x64xi32> to vector<64xi32>
    %swap3A_126 = vector.shape_cast %reduce_min3A_122 : vector<64xi32> to vector<1x64xi32>
    tpu.vector_store %arg3[%swap3A, %swap3A_123], %swap3A_126 {strides = array<i32>} : memref<1x512xi32, #tpu.memory_space<vmem>>, vector<1x64xi32>,
    %neg3A_127 = arith.constant 0.000000e+00 : f32
    %neg3A_128 = vector.broadcast %neg3A_127 : f32 to vector<64xf32>
    %neg3A_129 = arith.subf %neg3A_128, %reduce_max3A_114 : vector<64xf32>
    %reduce_sum3A_130 = vector.shape_cast %neg3A_129 : vector<64xf32> to vector<1x64xf32>
    %reduce_sum3A_131 = arith.constant dense<0.000000e+00> : vector<1xf32>
    %reduce_sum3A_132 = vector.multi_reduction <add>, %reduce_sum3A_130, %reduce_sum3A_131 [1] : vector<1x64xf32> to vector<1xf32>
    %reduce_sum3A_133 = vector.shape_cast %reduce_sum3A_132 : vector<1xf32> to vector<1x1xf32>
    %reduce_sum3A_134 = vector.extract %reduce_sum3A_133[0, 0] : f32 from vector<1x1xf32>
    %slice3A_135 = vector.extract_strided_slice %neg3A_19 {offsets = [64, 0], sizes = [64, 1], strides = [1, 1]} : vector<512x1xf32> to vector<64x1xf32>
    %slice3A_136 = vector.extract_strided_slice %get3A_23 {offsets = [0], sizes = [128], strides = [1]} : vector<1024xf32> to vector<128xf32>
    %broadcast_in_dim3A_137 = vector.shape_cast %slice3A_136 : vector<128xf32> to vector<1x128xf32>
    %sub3A_138 = vector.broadcast %slice3A_135 : vector<64x1xf32> to vector<64x128xf32>
    %sub3A_139 = vector.broadcast %broadcast_in_dim3A_137 : vector<1x128xf32> to vector<64x128xf32>
    %sub3A_140 = arith.subf %sub3A_138, %sub3A_139 : vector<64x128xf32>
    %slice3A_141 = vector.extract_strided_slice %dot_general3A_7 {offsets = [64, 0], sizes = [64, 128], strides = [1, 1]} : vector<512x256xf32> to vector<64x128xf32>
    %add3A_142 = arith.addf %sub3A_140, %slice3A_141 : vector<64x128xf32>
    %broadcast_in_dim3A_143 = arith.constant 0 : i32
    %broadcast_in_dim3A_144 = vector.broadcast %broadcast_in_dim3A_143 : i32 to vector<64x128xi32>
    %slice3A_145 = vector.extract_strided_slice %get3A_23 {offsets = [128], sizes = [128], strides = [1]} : vector<1024xf32> to vector<128xf32>
    %broadcast_in_dim3A_146 = vector.shape_cast %slice3A_145 : vector<128xf32> to vector<1x128xf32>
    %sub3A_147 = vector.broadcast %slice3A_135 : vector<64x1xf32> to vector<64x128xf32>
    %sub3A_148 = vector.broadcast %broadcast_in_dim3A_146 : vector<1x128xf32> to vector<64x128xf32>
    %sub3A_149 = arith.subf %sub3A_147, %sub3A_148 : vector<64x128xf32>
    %slice3A_150 = vector.extract_strided_slice %dot_general3A_7 {offsets = [64, 128], sizes = [64, 128], strides = [1, 1]} : vector<512x256xf32> to vector<64x128xf32>
    %add3A_151 = arith.addf %sub3A_149, %slice3A_150 : vector<64x128xf32>
    %gt3A_152 = arith.cmpf ogt, %add3A_151, %add3A_142 : vector<64x128xf32>
    %select_n3A_153 = arith.select %gt3A_152, %add3A_151, %add3A_142 : vector<64x128xi1>, vector<64x128xf32>
    %jit3A_154 = arith.constant 128 : i32
    %broadcast_in_dim3A_155 = vector.broadcast %jit3A_154 : i32 to vector<64x128xi32>
    %select_n3A_156 = arith.select %gt3A_152, %broadcast_in_dim3A_155, %broadcast_in_dim3A_144 : vector<64x128xi1>, vector<64x128xi32>
    %slice3A_157 = vector.extract_strided_slice %get3A_23 {offsets = [256], sizes = [128], strides = [1]} : vector<1024xf32> to vector<128xf32>
    %broadcast_in_dim3A_158 = vector.shape_cast %slice3A_157 : vector<128xf32> to vector<1x128xf32>
    %sub3A_159 = vector.broadcast %slice3A_135 : vector<64x1xf32> to vector<64x128xf32>
    %sub3A_160 = vector.broadcast %broadcast_in_dim3A_158 : vector<1x128xf32> to vector<64x128xf32>
    %sub3A_161 = arith.subf %sub3A_159, %sub3A_160 : vector<64x128xf32>
    %slice3A_162 = vector.extract_strided_slice %dot_general3A_10 {offsets = [64, 0], sizes = [64, 128], strides = [1, 1]} : vector<512x256xf32> to vector<64x128xf32>
    %add3A_163 = arith.addf %sub3A_161, %slice3A_162 : vector<64x128xf32>
    %gt3A_164 = arith.cmpf ogt, %add3A_163, %select_n3A_153 : vector<64x128xf32>
    %select_n3A_165 = arith.select %gt3A_164, %add3A_163, %select_n3A_153 : vector<64x128xi1>, vector<64x128xf32>
    %jit3A_166 = arith.constant 256 : i32
    %broadcast_in_dim3A_167 = vector.broadcast %jit3A_166 : i32 to vector<64x128xi32>
    %select_n3A_168 = arith.select %gt3A_164, %broadcast_in_dim3A_167, %select_n3A_156 : vector<64x128xi1>, vector<64x128xi32>
    %slice3A_169 = vector.extract_strided_slice %get3A_23 {offsets = [384], sizes = [128], strides = [1]} : vector<1024xf32> to vector<128xf32>
    %broadcast_in_dim3A_170 = vector.shape_cast %slice3A_169 : vector<128xf32> to vector<1x128xf32>
    %sub3A_171 = vector.broadcast %slice3A_135 : vector<64x1xf32> to vector<64x128xf32>
    %sub3A_172 = vector.broadcast %broadcast_in_dim3A_170 : vector<1x128xf32> to vector<64x128xf32>
    %sub3A_173 = arith.subf %sub3A_171, %sub3A_172 : vector<64x128xf32>
    %slice3A_174 = vector.extract_strided_slice %dot_general3A_10 {offsets = [64, 128], sizes = [64, 128], strides = [1, 1]} : vector<512x256xf32> to vector<64x128xf32>
    %add3A_175 = arith.addf %sub3A_173, %slice3A_174 : vector<64x128xf32>
    %gt3A_176 = arith.cmpf ogt, %add3A_175, %select_n3A_165 : vector<64x128xf32>
    %select_n3A_177 = arith.select %gt3A_176, %add3A_175, %select_n3A_165 : vector<64x128xi1>, vector<64x128xf32>
    %jit3A_178 = arith.constant 384 : i32
    %broadcast_in_dim3A_179 = vector.broadcast %jit3A_178 : i32 to vector<64x128xi32>
    %select_n3A_180 = arith.select %gt3A_176, %broadcast_in_dim3A_179, %select_n3A_168 : vector<64x128xi1>, vector<64x128xi32>
    %slice3A_181 = vector.extract_strided_slice %get3A_23 {offsets = [512], sizes = [128], strides = [1]} : vector<1024xf32> to vector<128xf32>
    %broadcast_in_dim3A_182 = vector.shape_cast %slice3A_181 : vector<128xf32> to vector<1x128xf32>
    %sub3A_183 = vector.broadcast %slice3A_135 : vector<64x1xf32> to vector<64x128xf32>
    %sub3A_184 = vector.broadcast %broadcast_in_dim3A_182 : vector<1x128xf32> to vector<64x128xf32>
    %sub3A_185 = arith.subf %sub3A_183, %sub3A_184 : vector<64x128xf32>
    %slice3A_186 = vector.extract_strided_slice %dot_general3A_13 {offsets = [64, 0], sizes = [64, 128], strides = [1, 1]} : vector<512x256xf32> to vector<64x128xf32>
    %add3A_187 = arith.addf %sub3A_185, %slice3A_186 : vector<64x128xf32>
    %gt3A_188 = arith.cmpf ogt, %add3A_187, %select_n3A_177 : vector<64x128xf32>
    %select_n3A_189 = arith.select %gt3A_188, %add3A_187, %select_n3A_177 : vector<64x128xi1>, vector<64x128xf32>
    %jit3A_190 = arith.constant 512 : i32
    %broadcast_in_dim3A_191 = vector.broadcast %jit3A_190 : i32 to vector<64x128xi32>
    %select_n3A_192 = arith.select %gt3A_188, %broadcast_in_dim3A_191, %select_n3A_180 : vector<64x128xi1>, vector<64x128xi32>
    %slice3A_193 = vector.extract_strided_slice %get3A_23 {offsets = [640], sizes = [128], strides = [1]} : vector<1024xf32> to vector<128xf32>
    %broadcast_in_dim3A_194 = vector.shape_cast %slice3A_193 : vector<128xf32> to vector<1x128xf32>
    %sub3A_195 = vector.broadcast %slice3A_135 : vector<64x1xf32> to vector<64x128xf32>
    %sub3A_196 = vector.broadcast %broadcast_in_dim3A_194 : vector<1x128xf32> to vector<64x128xf32>
    %sub3A_197 = arith.subf %sub3A_195, %sub3A_196 : vector<64x128xf32>
    %slice3A_198 = vector.extract_strided_slice %dot_general3A_13 {offsets = [64, 128], sizes = [64, 128], strides = [1, 1]} : vector<512x256xf32> to vector<64x128xf32>
    %add3A_199 = arith.addf %sub3A_197, %slice3A_198 : vector<64x128xf32>
    %gt3A_200 = arith.cmpf ogt, %add3A_199, %select_n3A_189 : vector<64x128xf32>
    %select_n3A_201 = arith.select %gt3A_200, %add3A_199, %select_n3A_189 : vector<64x128xi1>, vector<64x128xf32>
    %jit3A_202 = arith.constant 640 : i32
    %broadcast_in_dim3A_203 = vector.broadcast %jit3A_202 : i32 to vector<64x128xi32>
    %select_n3A_204 = arith.select %gt3A_200, %broadcast_in_dim3A_203, %select_n3A_192 : vector<64x128xi1>, vector<64x128xi32>
    %slice3A_205 = vector.extract_strided_slice %get3A_23 {offsets = [768], sizes = [128], strides = [1]} : vector<1024xf32> to vector<128xf32>
    %broadcast_in_dim3A_206 = vector.shape_cast %slice3A_205 : vector<128xf32> to vector<1x128xf32>
    %sub3A_207 = vector.broadcast %slice3A_135 : vector<64x1xf32> to vector<64x128xf32>
    %sub3A_208 = vector.broadcast %broadcast_in_dim3A_206 : vector<1x128xf32> to vector<64x128xf32>
    %sub3A_209 = arith.subf %sub3A_207, %sub3A_208 : vector<64x128xf32>
    %slice3A_210 = vector.extract_strided_slice %dot_general3A_16 {offsets = [64, 0], sizes = [64, 128], strides = [1, 1]} : vector<512x256xf32> to vector<64x128xf32>
    %add3A_211 = arith.addf %sub3A_209, %slice3A_210 : vector<64x128xf32>
    %gt3A_212 = arith.cmpf ogt, %add3A_211, %select_n3A_201 : vector<64x128xf32>
    %select_n3A_213 = arith.select %gt3A_212, %add3A_211, %select_n3A_201 : vector<64x128xi1>, vector<64x128xf32>
    %jit3A_214 = arith.constant 768 : i32
    %broadcast_in_dim3A_215 = vector.broadcast %jit3A_214 : i32 to vector<64x128xi32>
    %select_n3A_216 = arith.select %gt3A_212, %broadcast_in_dim3A_215, %select_n3A_204 : vector<64x128xi1>, vector<64x128xi32>
    %slice3A_217 = vector.extract_strided_slice %get3A_23 {offsets = [896], sizes = [128], strides = [1]} : vector<1024xf32> to vector<128xf32>
    %broadcast_in_dim3A_218 = vector.shape_cast %slice3A_217 : vector<128xf32> to vector<1x128xf32>
    %sub3A_219 = vector.broadcast %slice3A_135 : vector<64x1xf32> to vector<64x128xf32>
    %sub3A_220 = vector.broadcast %broadcast_in_dim3A_218 : vector<1x128xf32> to vector<64x128xf32>
    %sub3A_221 = arith.subf %sub3A_219, %sub3A_220 : vector<64x128xf32>
    %slice3A_222 = vector.extract_strided_slice %dot_general3A_16 {offsets = [64, 128], sizes = [64, 128], strides = [1, 1]} : vector<512x256xf32> to vector<64x128xf32>
    %add3A_223 = arith.addf %sub3A_221, %slice3A_222 : vector<64x128xf32>
    %gt3A_224 = arith.cmpf ogt, %add3A_223, %select_n3A_213 : vector<64x128xf32>
    %select_n3A_225 = arith.select %gt3A_224, %add3A_223, %select_n3A_213 : vector<64x128xi1>, vector<64x128xf32>
    %jit3A_226 = arith.constant 896 : i32
    %broadcast_in_dim3A_227 = vector.broadcast %jit3A_226 : i32 to vector<64x128xi32>
    %select_n3A_228 = arith.select %gt3A_224, %broadcast_in_dim3A_227, %select_n3A_216 : vector<64x128xi1>, vector<64x128xi32>
    %reduce_max3A_229 = arith.constant dense<0xFF800000> : vector<64xf32>
    %reduce_max3A_230 = vector.multi_reduction <maximumf>, %select_n3A_225, %reduce_max3A_229 [1] : vector<64x128xf32> to vector<64xf32>
    %iota3A_231 = tpu.iota {dimensions = array<i32: 1>} : vector<64x128xi32>
    %add3A_232 = arith.addi %select_n3A_228, %iota3A_231 : vector<64x128xi32>
    %broadcast_in_dim3A_233 = vector.shape_cast %reduce_max3A_230 : vector<64xf32> to vector<64x1xf32>
    %eq3A_234 = vector.broadcast %broadcast_in_dim3A_233 : vector<64x1xf32> to vector<64x128xf32>
    %eq3A_235 = arith.cmpf oeq, %select_n3A_225, %eq3A_234 : vector<64x128xf32>
    %jit3A_236 = arith.constant 1024 : i32
    %broadcast_in_dim3A_237 = vector.broadcast %jit3A_236 : i32 to vector<64x128xi32>
    %select_n3A_238 = arith.select %eq3A_235, %add3A_232, %broadcast_in_dim3A_237 : vector<64x128xi1>, vector<64x128xi32>
    %reduce_min3A_239 = arith.constant dense<2147483647> : vector<64xi32>
    %reduce_min3A_240 = vector.multi_reduction <minsi>, %select_n3A_238, %reduce_min3A_239 [1] : vector<64x128xi32> to vector<64xi32>
    %swap3A_241 = arith.constant 0 : index
    %swap3A_242 = arith.constant 64 : index
    %swap3A_243 = vector.load %arg3[%swap3A_241, %swap3A_242] : memref<1x512xi32, #tpu.memory_space<vmem>>, vector<1x64xi32>
    %swap3A_244 = vector.shape_cast %swap3A_243 : vector<1x64xi32> to vector<64xi32>
    %swap3A_245 = vector.shape_cast %reduce_min3A_240 : vector<64xi32> to vector<1x64xi32>
    tpu.vector_store %arg3[%swap3A_241, %swap3A_242], %swap3A_245 {strides = array<i32>} : memref<1x512xi32, #tpu.memory_space<vmem>>, vector<1x64xi32>,
    %neg3A_246 = arith.constant 0.000000e+00 : f32
    %neg3A_247 = vector.broadcast %neg3A_246 : f32 to vector<64xf32>
    %neg3A_248 = arith.subf %neg3A_247, %reduce_max3A_230 : vector<64xf32>
    %reduce_sum3A_249 = vector.shape_cast %neg3A_248 : vector<64xf32> to vector<1x64xf32>
    %reduce_sum3A_250 = arith.constant dense<0.000000e+00> : vector<1xf32>
    %reduce_sum3A_251 = vector.multi_reduction <add>, %reduce_sum3A_249, %reduce_sum3A_250 [1] : vector<1x64xf32> to vector<1xf32>
    %reduce_sum3A_252 = vector.shape_cast %reduce_sum3A_251 : vector<1xf32> to vector<1x1xf32>
    %reduce_sum3A_253 = vector.extract %reduce_sum3A_252[0, 0] : f32 from vector<1x1xf32>
    %add3A_254 = arith.addf %reduce_sum3A_134, %reduce_sum3A_253 : f32
    %slice3A_255 = vector.extract_strided_slice %neg3A_19 {offsets = [128, 0], sizes = [64, 1], strides = [1, 1]} : vector<512x1xf32> to vector<64x1xf32>
    %slice3A_256 = vector.extract_strided_slice %get3A_23 {offsets = [0], sizes = [128], strides = [1]} : vector<1024xf32> to vector<128xf32>
    %broadcast_in_dim3A_257 = vector.shape_cast %slice3A_256 : vector<128xf32> to vector<1x128xf32>
    %sub3A_258 = vector.broadcast %slice3A_255 : vector<64x1xf32> to vector<64x128xf32>
    %sub3A_259 = vector.broadcast %broadcast_in_dim3A_257 : vector<1x128xf32> to vector<64x128xf32>
    %sub3A_260 = arith.subf %sub3A_258, %sub3A_259 : vector<64x128xf32>
    %slice3A_261 = vector.extract_strided_slice %dot_general3A_7 {offsets = [128, 0], sizes = [64, 128], strides = [1, 1]} : vector<512x256xf32> to vector<64x128xf32>
    %add3A_262 = arith.addf %sub3A_260, %slice3A_261 : vector<64x128xf32>
    %broadcast_in_dim3A_263 = arith.constant 0 : i32
    %broadcast_in_dim3A_264 = vector.broadcast %broadcast_in_dim3A_263 : i32 to vector<64x128xi32>
    %slice3A_265 = vector.extract_strided_slice %get3A_23 {offsets = [128], sizes = [128], strides = [1]} : vector<1024xf32> to vector<128xf32>
    %broadcast_in_dim3A_266 = vector.shape_cast %slice3A_265 : vector<128xf32> to vector<1x128xf32>
    %sub3A_267 = vector.broadcast %slice3A_255 : vector<64x1xf32> to vector<64x128xf32>
    %sub3A_268 = vector.broadcast %broadcast_in_dim3A_266 : vector<1x128xf32> to vector<64x128xf32>
    %sub3A_269 = arith.subf %sub3A_267, %sub3A_268 : vector<64x128xf32>
    %slice3A_270 = vector.extract_strided_slice %dot_general3A_7 {offsets = [128, 128], sizes = [64, 128], strides = [1, 1]} : vector<512x256xf32> to vector<64x128xf32>
    %add3A_271 = arith.addf %sub3A_269, %slice3A_270 : vector<64x128xf32>
    %gt3A_272 = arith.cmpf ogt, %add3A_271, %add3A_262 : vector<64x128xf32>
    %select_n3A_273 = arith.select %gt3A_272, %add3A_271, %add3A_262 : vector<64x128xi1>, vector<64x128xf32>
    %jit3A_274 = arith.constant 128 : i32
    %broadcast_in_dim3A_275 = vector.broadcast %jit3A_274 : i32 to vector<64x128xi32>
    %select_n3A_276 = arith.select %gt3A_272, %broadcast_in_dim3A_275, %broadcast_in_dim3A_264 : vector<64x128xi1>, vector<64x128xi32>
    %slice3A_277 = vector.extract_strided_slice %get3A_23 {offsets = [256], sizes = [128], strides = [1]} : vector<1024xf32> to vector<128xf32>
    %broadcast_in_dim3A_278 = vector.shape_cast %slice3A_277 : vector<128xf32> to vector<1x128xf32>
    %sub3A_279 = vector.broadcast %slice3A_255 : vector<64x1xf32> to vector<64x128xf32>
    %sub3A_280 = vector.broadcast %broadcast_in_dim3A_278 : vector<1x128xf32> to vector<64x128xf32>
    %sub3A_281 = arith.subf %sub3A_279, %sub3A_280 : vector<64x128xf32>
    %slice3A_282 = vector.extract_strided_slice %dot_general3A_10 {offsets = [128, 0], sizes = [64, 128], strides = [1, 1]} : vector<512x256xf32> to vector<64x128xf32>
    %add3A_283 = arith.addf %sub3A_281, %slice3A_282 : vector<64x128xf32>
    %gt3A_284 = arith.cmpf ogt, %add3A_283, %select_n3A_273 : vector<64x128xf32>
    %select_n3A_285 = arith.select %gt3A_284, %add3A_283, %select_n3A_273 : vector<64x128xi1>, vector<64x128xf32>
    %jit3A_286 = arith.constant 256 : i32
    %broadcast_in_dim3A_287 = vector.broadcast %jit3A_286 : i32 to vector<64x128xi32>
    %select_n3A_288 = arith.select %gt3A_284, %broadcast_in_dim3A_287, %select_n3A_276 : vector<64x128xi1>, vector<64x128xi32>
    %slice3A_289 = vector.extract_strided_slice %get3A_23 {offsets = [384], sizes = [128], strides = [1]} : vector<1024xf32> to vector<128xf32>
    %broadcast_in_dim3A_290 = vector.shape_cast %slice3A_289 : vector<128xf32> to vector<1x128xf32>
    %sub3A_291 = vector.broadcast %slice3A_255 : vector<64x1xf32> to vector<64x128xf32>
    %sub3A_292 = vector.broadcast %broadcast_in_dim3A_290 : vector<1x128xf32> to vector<64x128xf32>
    %sub3A_293 = arith.subf %sub3A_291, %sub3A_292 : vector<64x128xf32>
    %slice3A_294 = vector.extract_strided_slice %dot_general3A_10 {offsets = [128, 128], sizes = [64, 128], strides = [1, 1]} : vector<512x256xf32> to vector<64x128xf32>
    %add3A_295 = arith.addf %sub3A_293, %slice3A_294 : vector<64x128xf32>
    %gt3A_296 = arith.cmpf ogt, %add3A_295, %select_n3A_285 : vector<64x128xf32>
    %select_n3A_297 = arith.select %gt3A_296, %add3A_295, %select_n3A_285 : vector<64x128xi1>, vector<64x128xf32>
    %jit3A_298 = arith.constant 384 : i32
    %broadcast_in_dim3A_299 = vector.broadcast %jit3A_298 : i32 to vector<64x128xi32>
    %select_n3A_300 = arith.select %gt3A_296, %broadcast_in_dim3A_299, %select_n3A_288 : vector<64x128xi1>, vector<64x128xi32>
    %slice3A_301 = vector.extract_strided_slice %get3A_23 {offsets = [512], sizes = [128], strides = [1]} : vector<1024xf32> to vector<128xf32>
    %broadcast_in_dim3A_302 = vector.shape_cast %slice3A_301 : vector<128xf32> to vector<1x128xf32>
    %sub3A_303 = vector.broadcast %slice3A_255 : vector<64x1xf32> to vector<64x128xf32>
    %sub3A_304 = vector.broadcast %broadcast_in_dim3A_302 : vector<1x128xf32> to vector<64x128xf32>
    %sub3A_305 = arith.subf %sub3A_303, %sub3A_304 : vector<64x128xf32>
    %slice3A_306 = vector.extract_strided_slice %dot_general3A_13 {offsets = [128, 0], sizes = [64, 128], strides = [1, 1]} : vector<512x256xf32> to vector<64x128xf32>
    %add3A_307 = arith.addf %sub3A_305, %slice3A_306 : vector<64x128xf32>
    %gt3A_308 = arith.cmpf ogt, %add3A_307, %select_n3A_297 : vector<64x128xf32>
    %select_n3A_309 = arith.select %gt3A_308, %add3A_307, %select_n3A_297 : vector<64x128xi1>, vector<64x128xf32>
    %jit3A_310 = arith.constant 512 : i32
    %broadcast_in_dim3A_311 = vector.broadcast %jit3A_310 : i32 to vector<64x128xi32>
    %select_n3A_312 = arith.select %gt3A_308, %broadcast_in_dim3A_311, %select_n3A_300 : vector<64x128xi1>, vector<64x128xi32>
    %slice3A_313 = vector.extract_strided_slice %get3A_23 {offsets = [640], sizes = [128], strides = [1]} : vector<1024xf32> to vector<128xf32>
    %broadcast_in_dim3A_314 = vector.shape_cast %slice3A_313 : vector<128xf32> to vector<1x128xf32>
    %sub3A_315 = vector.broadcast %slice3A_255 : vector<64x1xf32> to vector<64x128xf32>
    %sub3A_316 = vector.broadcast %broadcast_in_dim3A_314 : vector<1x128xf32> to vector<64x128xf32>
    %sub3A_317 = arith.subf %sub3A_315, %sub3A_316 : vector<64x128xf32>
    %slice3A_318 = vector.extract_strided_slice %dot_general3A_13 {offsets = [128, 128], sizes = [64, 128], strides = [1, 1]} : vector<512x256xf32> to vector<64x128xf32>
    %add3A_319 = arith.addf %sub3A_317, %slice3A_318 : vector<64x128xf32>
    %gt3A_320 = arith.cmpf ogt, %add3A_319, %select_n3A_309 : vector<64x128xf32>
    %select_n3A_321 = arith.select %gt3A_320, %add3A_319, %select_n3A_309 : vector<64x128xi1>, vector<64x128xf32>
    %jit3A_322 = arith.constant 640 : i32
    %broadcast_in_dim3A_323 = vector.broadcast %jit3A_322 : i32 to vector<64x128xi32>
    %select_n3A_324 = arith.select %gt3A_320, %broadcast_in_dim3A_323, %select_n3A_312 : vector<64x128xi1>, vector<64x128xi32>
    %slice3A_325 = vector.extract_strided_slice %get3A_23 {offsets = [768], sizes = [128], strides = [1]} : vector<1024xf32> to vector<128xf32>
    %broadcast_in_dim3A_326 = vector.shape_cast %slice3A_325 : vector<128xf32> to vector<1x128xf32>
    %sub3A_327 = vector.broadcast %slice3A_255 : vector<64x1xf32> to vector<64x128xf32>
    %sub3A_328 = vector.broadcast %broadcast_in_dim3A_326 : vector<1x128xf32> to vector<64x128xf32>
    %sub3A_329 = arith.subf %sub3A_327, %sub3A_328 : vector<64x128xf32>
    %slice3A_330 = vector.extract_strided_slice %dot_general3A_16 {offsets = [128, 0], sizes = [64, 128], strides = [1, 1]} : vector<512x256xf32> to vector<64x128xf32>
    %add3A_331 = arith.addf %sub3A_329, %slice3A_330 : vector<64x128xf32>
    %gt3A_332 = arith.cmpf ogt, %add3A_331, %select_n3A_321 : vector<64x128xf32>
    %select_n3A_333 = arith.select %gt3A_332, %add3A_331, %select_n3A_321 : vector<64x128xi1>, vector<64x128xf32>
    %jit3A_334 = arith.constant 768 : i32
    %broadcast_in_dim3A_335 = vector.broadcast %jit3A_334 : i32 to vector<64x128xi32>
    %select_n3A_336 = arith.select %gt3A_332, %broadcast_in_dim3A_335, %select_n3A_324 : vector<64x128xi1>, vector<64x128xi32>
    %slice3A_337 = vector.extract_strided_slice %get3A_23 {offsets = [896], sizes = [128], strides = [1]} : vector<1024xf32> to vector<128xf32>
    %broadcast_in_dim3A_338 = vector.shape_cast %slice3A_337 : vector<128xf32> to vector<1x128xf32>
    %sub3A_339 = vector.broadcast %slice3A_255 : vector<64x1xf32> to vector<64x128xf32>
    %sub3A_340 = vector.broadcast %broadcast_in_dim3A_338 : vector<1x128xf32> to vector<64x128xf32>
    %sub3A_341 = arith.subf %sub3A_339, %sub3A_340 : vector<64x128xf32>
    %slice3A_342 = vector.extract_strided_slice %dot_general3A_16 {offsets = [128, 128], sizes = [64, 128], strides = [1, 1]} : vector<512x256xf32> to vector<64x128xf32>
    %add3A_343 = arith.addf %sub3A_341, %slice3A_342 : vector<64x128xf32>
    %gt3A_344 = arith.cmpf ogt, %add3A_343, %select_n3A_333 : vector<64x128xf32>
    %select_n3A_345 = arith.select %gt3A_344, %add3A_343, %select_n3A_333 : vector<64x128xi1>, vector<64x128xf32>
    %jit3A_346 = arith.constant 896 : i32
    %broadcast_in_dim3A_347 = vector.broadcast %jit3A_346 : i32 to vector<64x128xi32>
    %select_n3A_348 = arith.select %gt3A_344, %broadcast_in_dim3A_347, %select_n3A_336 : vector<64x128xi1>, vector<64x128xi32>
    %reduce_max3A_349 = arith.constant dense<0xFF800000> : vector<64xf32>
    %reduce_max3A_350 = vector.multi_reduction <maximumf>, %select_n3A_345, %reduce_max3A_349 [1] : vector<64x128xf32> to vector<64xf32>
    %iota3A_351 = tpu.iota {dimensions = array<i32: 1>} : vector<64x128xi32>
    %add3A_352 = arith.addi %select_n3A_348, %iota3A_351 : vector<64x128xi32>
    %broadcast_in_dim3A_353 = vector.shape_cast %reduce_max3A_350 : vector<64xf32> to vector<64x1xf32>
    %eq3A_354 = vector.broadcast %broadcast_in_dim3A_353 : vector<64x1xf32> to vector<64x128xf32>
    %eq3A_355 = arith.cmpf oeq, %select_n3A_345, %eq3A_354 : vector<64x128xf32>
    %jit3A_356 = arith.constant 1024 : i32
    %broadcast_in_dim3A_357 = vector.broadcast %jit3A_356 : i32 to vector<64x128xi32>
    %select_n3A_358 = arith.select %eq3A_355, %add3A_352, %broadcast_in_dim3A_357 : vector<64x128xi1>, vector<64x128xi32>
    %reduce_min3A_359 = arith.constant dense<2147483647> : vector<64xi32>
    %reduce_min3A_360 = vector.multi_reduction <minsi>, %select_n3A_358, %reduce_min3A_359 [1] : vector<64x128xi32> to vector<64xi32>
    %swap3A_361 = arith.constant 0 : index
    %swap3A_362 = arith.constant 128 : index
    %swap3A_363 = vector.load %arg3[%swap3A_361, %swap3A_362] : memref<1x512xi32, #tpu.memory_space<vmem>>, vector<1x64xi32>
    %swap3A_364 = vector.shape_cast %swap3A_363 : vector<1x64xi32> to vector<64xi32>
    %swap3A_365 = vector.shape_cast %reduce_min3A_360 : vector<64xi32> to vector<1x64xi32>
    tpu.vector_store %arg3[%swap3A_361, %swap3A_362], %swap3A_365 {strides = array<i32>} : memref<1x512xi32, #tpu.memory_space<vmem>>, vector<1x64xi32>,
    %neg3A_366 = arith.constant 0.000000e+00 : f32
    %neg3A_367 = vector.broadcast %neg3A_366 : f32 to vector<64xf32>
    %neg3A_368 = arith.subf %neg3A_367, %reduce_max3A_350 : vector<64xf32>
    %reduce_sum3A_369 = vector.shape_cast %neg3A_368 : vector<64xf32> to vector<1x64xf32>
    %reduce_sum3A_370 = arith.constant dense<0.000000e+00> : vector<1xf32>
    %reduce_sum3A_371 = vector.multi_reduction <add>, %reduce_sum3A_369, %reduce_sum3A_370 [1] : vector<1x64xf32> to vector<1xf32>
    %reduce_sum3A_372 = vector.shape_cast %reduce_sum3A_371 : vector<1xf32> to vector<1x1xf32>
    %reduce_sum3A_373 = vector.extract %reduce_sum3A_372[0, 0] : f32 from vector<1x1xf32>
    %add3A_374 = arith.addf %add3A_254, %reduce_sum3A_373 : f32
    %slice3A_375 = vector.extract_strided_slice %neg3A_19 {offsets = [192, 0], sizes = [64, 1], strides = [1, 1]} : vector<512x1xf32> to vector<64x1xf32>
    %slice3A_376 = vector.extract_strided_slice %get3A_23 {offsets = [0], sizes = [128], strides = [1]} : vector<1024xf32> to vector<128xf32>
    %broadcast_in_dim3A_377 = vector.shape_cast %slice3A_376 : vector<128xf32> to vector<1x128xf32>
    %sub3A_378 = vector.broadcast %slice3A_375 : vector<64x1xf32> to vector<64x128xf32>
    %sub3A_379 = vector.broadcast %broadcast_in_dim3A_377 : vector<1x128xf32> to vector<64x128xf32>
    %sub3A_380 = arith.subf %sub3A_378, %sub3A_379 : vector<64x128xf32>
    %slice3A_381 = vector.extract_strided_slice %dot_general3A_7 {offsets = [192, 0], sizes = [64, 128], strides = [1, 1]} : vector<512x256xf32> to vector<64x128xf32>
    %add3A_382 = arith.addf %sub3A_380, %slice3A_381 : vector<64x128xf32>
    %broadcast_in_dim3A_383 = arith.constant 0 : i32
    %broadcast_in_dim3A_384 = vector.broadcast %broadcast_in_dim3A_383 : i32 to vector<64x128xi32>
    %slice3A_385 = vector.extract_strided_slice %get3A_23 {offsets = [128], sizes = [128], strides = [1]} : vector<1024xf32> to vector<128xf32>
    %broadcast_in_dim3A_386 = vector.shape_cast %slice3A_385 : vector<128xf32> to vector<1x128xf32>
    %sub3A_387 = vector.broadcast %slice3A_375 : vector<64x1xf32> to vector<64x128xf32>
    %sub3A_388 = vector.broadcast %broadcast_in_dim3A_386 : vector<1x128xf32> to vector<64x128xf32>
    %sub3A_389 = arith.subf %sub3A_387, %sub3A_388 : vector<64x128xf32>
    %slice3A_390 = vector.extract_strided_slice %dot_general3A_7 {offsets = [192, 128], sizes = [64, 128], strides = [1, 1]} : vector<512x256xf32> to vector<64x128xf32>
    %add3A_391 = arith.addf %sub3A_389, %slice3A_390 : vector<64x128xf32>
    %gt3A_392 = arith.cmpf ogt, %add3A_391, %add3A_382 : vector<64x128xf32>
    %select_n3A_393 = arith.select %gt3A_392, %add3A_391, %add3A_382 : vector<64x128xi1>, vector<64x128xf32>
    %jit3A_394 = arith.constant 128 : i32
    %broadcast_in_dim3A_395 = vector.broadcast %jit3A_394 : i32 to vector<64x128xi32>
    %select_n3A_396 = arith.select %gt3A_392, %broadcast_in_dim3A_395, %broadcast_in_dim3A_384 : vector<64x128xi1>, vector<64x128xi32>
    %slice3A_397 = vector.extract_strided_slice %get3A_23 {offsets = [256], sizes = [128], strides = [1]} : vector<1024xf32> to vector<128xf32>
    %broadcast_in_dim3A_398 = vector.shape_cast %slice3A_397 : vector<128xf32> to vector<1x128xf32>
    %sub3A_399 = vector.broadcast %slice3A_375 : vector<64x1xf32> to vector<64x128xf32>
    %sub3A_400 = vector.broadcast %broadcast_in_dim3A_398 : vector<1x128xf32> to vector<64x128xf32>
    %sub3A_401 = arith.subf %sub3A_399, %sub3A_400 : vector<64x128xf32>
    %slice3A_402 = vector.extract_strided_slice %dot_general3A_10 {offsets = [192, 0], sizes = [64, 128], strides = [1, 1]} : vector<512x256xf32> to vector<64x128xf32>
    %add3A_403 = arith.addf %sub3A_401, %slice3A_402 : vector<64x128xf32>
    %gt3A_404 = arith.cmpf ogt, %add3A_403, %select_n3A_393 : vector<64x128xf32>
    %select_n3A_405 = arith.select %gt3A_404, %add3A_403, %select_n3A_393 : vector<64x128xi1>, vector<64x128xf32>
    %jit3A_406 = arith.constant 256 : i32
    %broadcast_in_dim3A_407 = vector.broadcast %jit3A_406 : i32 to vector<64x128xi32>
    %select_n3A_408 = arith.select %gt3A_404, %broadcast_in_dim3A_407, %select_n3A_396 : vector<64x128xi1>, vector<64x128xi32>
    %slice3A_409 = vector.extract_strided_slice %get3A_23 {offsets = [384], sizes = [128], strides = [1]} : vector<1024xf32> to vector<128xf32>
    %broadcast_in_dim3A_410 = vector.shape_cast %slice3A_409 : vector<128xf32> to vector<1x128xf32>
    %sub3A_411 = vector.broadcast %slice3A_375 : vector<64x1xf32> to vector<64x128xf32>
    %sub3A_412 = vector.broadcast %broadcast_in_dim3A_410 : vector<1x128xf32> to vector<64x128xf32>
    %sub3A_413 = arith.subf %sub3A_411, %sub3A_412 : vector<64x128xf32>
    %slice3A_414 = vector.extract_strided_slice %dot_general3A_10 {offsets = [192, 128], sizes = [64, 128], strides = [1, 1]} : vector<512x256xf32> to vector<64x128xf32>
    %add3A_415 = arith.addf %sub3A_413, %slice3A_414 : vector<64x128xf32>
    %gt3A_416 = arith.cmpf ogt, %add3A_415, %select_n3A_405 : vector<64x128xf32>
    %select_n3A_417 = arith.select %gt3A_416, %add3A_415, %select_n3A_405 : vector<64x128xi1>, vector<64x128xf32>
    %jit3A_418 = arith.constant 384 : i32
    %broadcast_in_dim3A_419 = vector.broadcast %jit3A_418 : i32 to vector<64x128xi32>
    %select_n3A_420 = arith.select %gt3A_416, %broadcast_in_dim3A_419, %select_n3A_408 : vector<64x128xi1>, vector<64x128xi32>
    %slice3A_421 = vector.extract_strided_slice %get3A_23 {offsets = [512], sizes = [128], strides = [1]} : vector<1024xf32> to vector<128xf32>
    %broadcast_in_dim3A_422 = vector.shape_cast %slice3A_421 : vector<128xf32> to vector<1x128xf32>
    %sub3A_423 = vector.broadcast %slice3A_375 : vector<64x1xf32> to vector<64x128xf32>
    %sub3A_424 = vector.broadcast %broadcast_in_dim3A_422 : vector<1x128xf32> to vector<64x128xf32>
    %sub3A_425 = arith.subf %sub3A_423, %sub3A_424 : vector<64x128xf32>
    %slice3A_426 = vector.extract_strided_slice %dot_general3A_13 {offsets = [192, 0], sizes = [64, 128], strides = [1, 1]} : vector<512x256xf32> to vector<64x128xf32>
    %add3A_427 = arith.addf %sub3A_425, %slice3A_426 : vector<64x128xf32>
    %gt3A_428 = arith.cmpf ogt, %add3A_427, %select_n3A_417 : vector<64x128xf32>
    %select_n3A_429 = arith.select %gt3A_428, %add3A_427, %select_n3A_417 : vector<64x128xi1>, vector<64x128xf32>
    %jit3A_430 = arith.constant 512 : i32
    %broadcast_in_dim3A_431 = vector.broadcast %jit3A_430 : i32 to vector<64x128xi32>
    %select_n3A_432 = arith.select %gt3A_428, %broadcast_in_dim3A_431, %select_n3A_420 : vector<64x128xi1>, vector<64x128xi32>
    %slice3A_433 = vector.extract_strided_slice %get3A_23 {offsets = [640], sizes = [128], strides = [1]} : vector<1024xf32> to vector<128xf32>
    %broadcast_in_dim3A_434 = vector.shape_cast %slice3A_433 : vector<128xf32> to vector<1x128xf32>
    %sub3A_435 = vector.broadcast %slice3A_375 : vector<64x1xf32> to vector<64x128xf32>
    %sub3A_436 = vector.broadcast %broadcast_in_dim3A_434 : vector<1x128xf32> to vector<64x128xf32>
    %sub3A_437 = arith.subf %sub3A_435, %sub3A_436 : vector<64x128xf32>
    %slice3A_438 = vector.extract_strided_slice %dot_general3A_13 {offsets = [192, 128], sizes = [64, 128], strides = [1, 1]} : vector<512x256xf32> to vector<64x128xf32>
    %add3A_439 = arith.addf %sub3A_437, %slice3A_438 : vector<64x128xf32>
    %gt3A_440 = arith.cmpf ogt, %add3A_439, %select_n3A_429 : vector<64x128xf32>
    %select_n3A_441 = arith.select %gt3A_440, %add3A_439, %select_n3A_429 : vector<64x128xi1>, vector<64x128xf32>
    %jit3A_442 = arith.constant 640 : i32
    %broadcast_in_dim3A_443 = vector.broadcast %jit3A_442 : i32 to vector<64x128xi32>
    %select_n3A_444 = arith.select %gt3A_440, %broadcast_in_dim3A_443, %select_n3A_432 : vector<64x128xi1>, vector<64x128xi32>
    %slice3A_445 = vector.extract_strided_slice %get3A_23 {offsets = [768], sizes = [128], strides = [1]} : vector<1024xf32> to vector<128xf32>
    %broadcast_in_dim3A_446 = vector.shape_cast %slice3A_445 : vector<128xf32> to vector<1x128xf32>
    %sub3A_447 = vector.broadcast %slice3A_375 : vector<64x1xf32> to vector<64x128xf32>
    %sub3A_448 = vector.broadcast %broadcast_in_dim3A_446 : vector<1x128xf32> to vector<64x128xf32>
    %sub3A_449 = arith.subf %sub3A_447, %sub3A_448 : vector<64x128xf32>
    %slice3A_450 = vector.extract_strided_slice %dot_general3A_16 {offsets = [192, 0], sizes = [64, 128], strides = [1, 1]} : vector<512x256xf32> to vector<64x128xf32>
    %add3A_451 = arith.addf %sub3A_449, %slice3A_450 : vector<64x128xf32>
    %gt3A_452 = arith.cmpf ogt, %add3A_451, %select_n3A_441 : vector<64x128xf32>
    %select_n3A_453 = arith.select %gt3A_452, %add3A_451, %select_n3A_441 : vector<64x128xi1>, vector<64x128xf32>
    %jit3A_454 = arith.constant 768 : i32
    %broadcast_in_dim3A_455 = vector.broadcast %jit3A_454 : i32 to vector<64x128xi32>
    %select_n3A_456 = arith.select %gt3A_452, %broadcast_in_dim3A_455, %select_n3A_444 : vector<64x128xi1>, vector<64x128xi32>
    %slice3A_457 = vector.extract_strided_slice %get3A_23 {offsets = [896], sizes = [128], strides = [1]} : vector<1024xf32> to vector<128xf32>
    %broadcast_in_dim3A_458 = vector.shape_cast %slice3A_457 : vector<128xf32> to vector<1x128xf32>
    %sub3A_459 = vector.broadcast %slice3A_375 : vector<64x1xf32> to vector<64x128xf32>
    %sub3A_460 = vector.broadcast %broadcast_in_dim3A_458 : vector<1x128xf32> to vector<64x128xf32>
    %sub3A_461 = arith.subf %sub3A_459, %sub3A_460 : vector<64x128xf32>
    %slice3A_462 = vector.extract_strided_slice %dot_general3A_16 {offsets = [192, 128], sizes = [64, 128], strides = [1, 1]} : vector<512x256xf32> to vector<64x128xf32>
    %add3A_463 = arith.addf %sub3A_461, %slice3A_462 : vector<64x128xf32>
    %gt3A_464 = arith.cmpf ogt, %add3A_463, %select_n3A_453 : vector<64x128xf32>
    %select_n3A_465 = arith.select %gt3A_464, %add3A_463, %select_n3A_453 : vector<64x128xi1>, vector<64x128xf32>
    %jit3A_466 = arith.constant 896 : i32
    %broadcast_in_dim3A_467 = vector.broadcast %jit3A_466 : i32 to vector<64x128xi32>
    %select_n3A_468 = arith.select %gt3A_464, %broadcast_in_dim3A_467, %select_n3A_456 : vector<64x128xi1>, vector<64x128xi32>
    %reduce_max3A_469 = arith.constant dense<0xFF800000> : vector<64xf32>
    %reduce_max3A_470 = vector.multi_reduction <maximumf>, %select_n3A_465, %reduce_max3A_469 [1] : vector<64x128xf32> to vector<64xf32>
    %iota3A_471 = tpu.iota {dimensions = array<i32: 1>} : vector<64x128xi32>
    %add3A_472 = arith.addi %select_n3A_468, %iota3A_471 : vector<64x128xi32>
    %broadcast_in_dim3A_473 = vector.shape_cast %reduce_max3A_470 : vector<64xf32> to vector<64x1xf32>
    %eq3A_474 = vector.broadcast %broadcast_in_dim3A_473 : vector<64x1xf32> to vector<64x128xf32>
    %eq3A_475 = arith.cmpf oeq, %select_n3A_465, %eq3A_474 : vector<64x128xf32>
    %jit3A_476 = arith.constant 1024 : i32
    %broadcast_in_dim3A_477 = vector.broadcast %jit3A_476 : i32 to vector<64x128xi32>
    %select_n3A_478 = arith.select %eq3A_475, %add3A_472, %broadcast_in_dim3A_477 : vector<64x128xi1>, vector<64x128xi32>
    %reduce_min3A_479 = arith.constant dense<2147483647> : vector<64xi32>
    %reduce_min3A_480 = vector.multi_reduction <minsi>, %select_n3A_478, %reduce_min3A_479 [1] : vector<64x128xi32> to vector<64xi32>
    %swap3A_481 = arith.constant 0 : index
    %swap3A_482 = arith.constant 192 : index
    %swap3A_483 = vector.load %arg3[%swap3A_481, %swap3A_482] : memref<1x512xi32, #tpu.memory_space<vmem>>, vector<1x64xi32>
    %swap3A_484 = vector.shape_cast %swap3A_483 : vector<1x64xi32> to vector<64xi32>
    %swap3A_485 = vector.shape_cast %reduce_min3A_480 : vector<64xi32> to vector<1x64xi32>
    tpu.vector_store %arg3[%swap3A_481, %swap3A_482], %swap3A_485 {strides = array<i32>} : memref<1x512xi32, #tpu.memory_space<vmem>>, vector<1x64xi32>,
    %neg3A_486 = arith.constant 0.000000e+00 : f32
    %neg3A_487 = vector.broadcast %neg3A_486 : f32 to vector<64xf32>
    %neg3A_488 = arith.subf %neg3A_487, %reduce_max3A_470 : vector<64xf32>
    %reduce_sum3A_489 = vector.shape_cast %neg3A_488 : vector<64xf32> to vector<1x64xf32>
    %reduce_sum3A_490 = arith.constant dense<0.000000e+00> : vector<1xf32>
    %reduce_sum3A_491 = vector.multi_reduction <add>, %reduce_sum3A_489, %reduce_sum3A_490 [1] : vector<1x64xf32> to vector<1xf32>
    %reduce_sum3A_492 = vector.shape_cast %reduce_sum3A_491 : vector<1xf32> to vector<1x1xf32>
    %reduce_sum3A_493 = vector.extract %reduce_sum3A_492[0, 0] : f32 from vector<1x1xf32>
    %add3A_494 = arith.addf %add3A_374, %reduce_sum3A_493 : f32
    %slice3A_495 = vector.extract_strided_slice %neg3A_19 {offsets = [256, 0], sizes = [64, 1], strides = [1, 1]} : vector<512x1xf32> to vector<64x1xf32>
    %slice3A_496 = vector.extract_strided_slice %get3A_23 {offsets = [0], sizes = [128], strides = [1]} : vector<1024xf32> to vector<128xf32>
    %broadcast_in_dim3A_497 = vector.shape_cast %slice3A_496 : vector<128xf32> to vector<1x128xf32>
    %sub3A_498 = vector.broadcast %slice3A_495 : vector<64x1xf32> to vector<64x128xf32>
    %sub3A_499 = vector.broadcast %broadcast_in_dim3A_497 : vector<1x128xf32> to vector<64x128xf32>
    %sub3A_500 = arith.subf %sub3A_498, %sub3A_499 : vector<64x128xf32>
    %slice3A_501 = vector.extract_strided_slice %dot_general3A_7 {offsets = [256, 0], sizes = [64, 128], strides = [1, 1]} : vector<512x256xf32> to vector<64x128xf32>
    %add3A_502 = arith.addf %sub3A_500, %slice3A_501 : vector<64x128xf32>
    %broadcast_in_dim3A_503 = arith.constant 0 : i32
    %broadcast_in_dim3A_504 = vector.broadcast %broadcast_in_dim3A_503 : i32 to vector<64x128xi32>
    %slice3A_505 = vector.extract_strided_slice %get3A_23 {offsets = [128], sizes = [128], strides = [1]} : vector<1024xf32> to vector<128xf32>
    %broadcast_in_dim3A_506 = vector.shape_cast %slice3A_505 : vector<128xf32> to vector<1x128xf32>
    %sub3A_507 = vector.broadcast %slice3A_495 : vector<64x1xf32> to vector<64x128xf32>
    %sub3A_508 = vector.broadcast %broadcast_in_dim3A_506 : vector<1x128xf32> to vector<64x128xf32>
    %sub3A_509 = arith.subf %sub3A_507, %sub3A_508 : vector<64x128xf32>
    %slice3A_510 = vector.extract_strided_slice %dot_general3A_7 {offsets = [256, 128], sizes = [64, 128], strides = [1, 1]} : vector<512x256xf32> to vector<64x128xf32>
    %add3A_511 = arith.addf %sub3A_509, %slice3A_510 : vector<64x128xf32>
    %gt3A_512 = arith.cmpf ogt, %add3A_511, %add3A_502 : vector<64x128xf32>
    %select_n3A_513 = arith.select %gt3A_512, %add3A_511, %add3A_502 : vector<64x128xi1>, vector<64x128xf32>
    %jit3A_514 = arith.constant 128 : i32
    %broadcast_in_dim3A_515 = vector.broadcast %jit3A_514 : i32 to vector<64x128xi32>
    %select_n3A_516 = arith.select %gt3A_512, %broadcast_in_dim3A_515, %broadcast_in_dim3A_504 : vector<64x128xi1>, vector<64x128xi32>
    %slice3A_517 = vector.extract_strided_slice %get3A_23 {offsets = [256], sizes = [128], strides = [1]} : vector<1024xf32> to vector<128xf32>
    %broadcast_in_dim3A_518 = vector.shape_cast %slice3A_517 : vector<128xf32> to vector<1x128xf32>
    %sub3A_519 = vector.broadcast %slice3A_495 : vector<64x1xf32> to vector<64x128xf32>
    %sub3A_520 = vector.broadcast %broadcast_in_dim3A_518 : vector<1x128xf32> to vector<64x128xf32>
    %sub3A_521 = arith.subf %sub3A_519, %sub3A_520 : vector<64x128xf32>
    %slice3A_522 = vector.extract_strided_slice %dot_general3A_10 {offsets = [256, 0], sizes = [64, 128], strides = [1, 1]} : vector<512x256xf32> to vector<64x128xf32>
    %add3A_523 = arith.addf %sub3A_521, %slice3A_522 : vector<64x128xf32>
    %gt3A_524 = arith.cmpf ogt, %add3A_523, %select_n3A_513 : vector<64x128xf32>
    %select_n3A_525 = arith.select %gt3A_524, %add3A_523, %select_n3A_513 : vector<64x128xi1>, vector<64x128xf32>
    %jit3A_526 = arith.constant 256 : i32
    %broadcast_in_dim3A_527 = vector.broadcast %jit3A_526 : i32 to vector<64x128xi32>
    %select_n3A_528 = arith.select %gt3A_524, %broadcast_in_dim3A_527, %select_n3A_516 : vector<64x128xi1>, vector<64x128xi32>
    %slice3A_529 = vector.extract_strided_slice %get3A_23 {offsets = [384], sizes = [128], strides = [1]} : vector<1024xf32> to vector<128xf32>
    %broadcast_in_dim3A_530 = vector.shape_cast %slice3A_529 : vector<128xf32> to vector<1x128xf32>
    %sub3A_531 = vector.broadcast %slice3A_495 : vector<64x1xf32> to vector<64x128xf32>
    %sub3A_532 = vector.broadcast %broadcast_in_dim3A_530 : vector<1x128xf32> to vector<64x128xf32>
    %sub3A_533 = arith.subf %sub3A_531, %sub3A_532 : vector<64x128xf32>
    %slice3A_534 = vector.extract_strided_slice %dot_general3A_10 {offsets = [256, 128], sizes = [64, 128], strides = [1, 1]} : vector<512x256xf32> to vector<64x128xf32>
    %add3A_535 = arith.addf %sub3A_533, %slice3A_534 : vector<64x128xf32>
    %gt3A_536 = arith.cmpf ogt, %add3A_535, %select_n3A_525 : vector<64x128xf32>
    %select_n3A_537 = arith.select %gt3A_536, %add3A_535, %select_n3A_525 : vector<64x128xi1>, vector<64x128xf32>
    %jit3A_538 = arith.constant 384 : i32
    %broadcast_in_dim3A_539 = vector.broadcast %jit3A_538 : i32 to vector<64x128xi32>
    %select_n3A_540 = arith.select %gt3A_536, %broadcast_in_dim3A_539, %select_n3A_528 : vector<64x128xi1>, vector<64x128xi32>
    %slice3A_541 = vector.extract_strided_slice %get3A_23 {offsets = [512], sizes = [128], strides = [1]} : vector<1024xf32> to vector<128xf32>
    %broadcast_in_dim3A_542 = vector.shape_cast %slice3A_541 : vector<128xf32> to vector<1x128xf32>
    %sub3A_543 = vector.broadcast %slice3A_495 : vector<64x1xf32> to vector<64x128xf32>
    %sub3A_544 = vector.broadcast %broadcast_in_dim3A_542 : vector<1x128xf32> to vector<64x128xf32>
    %sub3A_545 = arith.subf %sub3A_543, %sub3A_544 : vector<64x128xf32>
    %slice3A_546 = vector.extract_strided_slice %dot_general3A_13 {offsets = [256, 0], sizes = [64, 128], strides = [1, 1]} : vector<512x256xf32> to vector<64x128xf32>
    %add3A_547 = arith.addf %sub3A_545, %slice3A_546 : vector<64x128xf32>
    %gt3A_548 = arith.cmpf ogt, %add3A_547, %select_n3A_537 : vector<64x128xf32>
    %select_n3A_549 = arith.select %gt3A_548, %add3A_547, %select_n3A_537 : vector<64x128xi1>, vector<64x128xf32>
    %jit3A_550 = arith.constant 512 : i32
    %broadcast_in_dim3A_551 = vector.broadcast %jit3A_550 : i32 to vector<64x128xi32>
    %select_n3A_552 = arith.select %gt3A_548, %broadcast_in_dim3A_551, %select_n3A_540 : vector<64x128xi1>, vector<64x128xi32>
    %slice3A_553 = vector.extract_strided_slice %get3A_23 {offsets = [640], sizes = [128], strides = [1]} : vector<1024xf32> to vector<128xf32>
    %broadcast_in_dim3A_554 = vector.shape_cast %slice3A_553 : vector<128xf32> to vector<1x128xf32>
    %sub3A_555 = vector.broadcast %slice3A_495 : vector<64x1xf32> to vector<64x128xf32>
    %sub3A_556 = vector.broadcast %broadcast_in_dim3A_554 : vector<1x128xf32> to vector<64x128xf32>
    %sub3A_557 = arith.subf %sub3A_555, %sub3A_556 : vector<64x128xf32>
    %slice3A_558 = vector.extract_strided_slice %dot_general3A_13 {offsets = [256, 128], sizes = [64, 128], strides = [1, 1]} : vector<512x256xf32> to vector<64x128xf32>
    %add3A_559 = arith.addf %sub3A_557, %slice3A_558 : vector<64x128xf32>
    %gt3A_560 = arith.cmpf ogt, %add3A_559, %select_n3A_549 : vector<64x128xf32>
    %select_n3A_561 = arith.select %gt3A_560, %add3A_559, %select_n3A_549 : vector<64x128xi1>, vector<64x128xf32>
    %jit3A_562 = arith.constant 640 : i32
    %broadcast_in_dim3A_563 = vector.broadcast %jit3A_562 : i32 to vector<64x128xi32>
    %select_n3A_564 = arith.select %gt3A_560, %broadcast_in_dim3A_563, %select_n3A_552 : vector<64x128xi1>, vector<64x128xi32>
    %slice3A_565 = vector.extract_strided_slice %get3A_23 {offsets = [768], sizes = [128], strides = [1]} : vector<1024xf32> to vector<128xf32>
    %broadcast_in_dim3A_566 = vector.shape_cast %slice3A_565 : vector<128xf32> to vector<1x128xf32>
    %sub3A_567 = vector.broadcast %slice3A_495 : vector<64x1xf32> to vector<64x128xf32>
    %sub3A_568 = vector.broadcast %broadcast_in_dim3A_566 : vector<1x128xf32> to vector<64x128xf32>
    %sub3A_569 = arith.subf %sub3A_567, %sub3A_568 : vector<64x128xf32>
    %slice3A_570 = vector.extract_strided_slice %dot_general3A_16 {offsets = [256, 0], sizes = [64, 128], strides = [1, 1]} : vector<512x256xf32> to vector<64x128xf32>
    %add3A_571 = arith.addf %sub3A_569, %slice3A_570 : vector<64x128xf32>
    %gt3A_572 = arith.cmpf ogt, %add3A_571, %select_n3A_561 : vector<64x128xf32>
    %select_n3A_573 = arith.select %gt3A_572, %add3A_571, %select_n3A_561 : vector<64x128xi1>, vector<64x128xf32>
    %jit3A_574 = arith.constant 768 : i32
    %broadcast_in_dim3A_575 = vector.broadcast %jit3A_574 : i32 to vector<64x128xi32>
    %select_n3A_576 = arith.select %gt3A_572, %broadcast_in_dim3A_575, %select_n3A_564 : vector<64x128xi1>, vector<64x128xi32>
    %slice3A_577 = vector.extract_strided_slice %get3A_23 {offsets = [896], sizes = [128], strides = [1]} : vector<1024xf32> to vector<128xf32>
    %broadcast_in_dim3A_578 = vector.shape_cast %slice3A_577 : vector<128xf32> to vector<1x128xf32>
    %sub3A_579 = vector.broadcast %slice3A_495 : vector<64x1xf32> to vector<64x128xf32>
    %sub3A_580 = vector.broadcast %broadcast_in_dim3A_578 : vector<1x128xf32> to vector<64x128xf32>
    %sub3A_581 = arith.subf %sub3A_579, %sub3A_580 : vector<64x128xf32>
    %slice3A_582 = vector.extract_strided_slice %dot_general3A_16 {offsets = [256, 128], sizes = [64, 128], strides = [1, 1]} : vector<512x256xf32> to vector<64x128xf32>
    %add3A_583 = arith.addf %sub3A_581, %slice3A_582 : vector<64x128xf32>
    %gt3A_584 = arith.cmpf ogt, %add3A_583, %select_n3A_573 : vector<64x128xf32>
    %select_n3A_585 = arith.select %gt3A_584, %add3A_583, %select_n3A_573 : vector<64x128xi1>, vector<64x128xf32>
    %jit3A_586 = arith.constant 896 : i32
    %broadcast_in_dim3A_587 = vector.broadcast %jit3A_586 : i32 to vector<64x128xi32>
    %select_n3A_588 = arith.select %gt3A_584, %broadcast_in_dim3A_587, %select_n3A_576 : vector<64x128xi1>, vector<64x128xi32>
    %reduce_max3A_589 = arith.constant dense<0xFF800000> : vector<64xf32>
    %reduce_max3A_590 = vector.multi_reduction <maximumf>, %select_n3A_585, %reduce_max3A_589 [1] : vector<64x128xf32> to vector<64xf32>
    %iota3A_591 = tpu.iota {dimensions = array<i32: 1>} : vector<64x128xi32>
    %add3A_592 = arith.addi %select_n3A_588, %iota3A_591 : vector<64x128xi32>
    %broadcast_in_dim3A_593 = vector.shape_cast %reduce_max3A_590 : vector<64xf32> to vector<64x1xf32>
    %eq3A_594 = vector.broadcast %broadcast_in_dim3A_593 : vector<64x1xf32> to vector<64x128xf32>
    %eq3A_595 = arith.cmpf oeq, %select_n3A_585, %eq3A_594 : vector<64x128xf32>
    %jit3A_596 = arith.constant 1024 : i32
    %broadcast_in_dim3A_597 = vector.broadcast %jit3A_596 : i32 to vector<64x128xi32>
    %select_n3A_598 = arith.select %eq3A_595, %add3A_592, %broadcast_in_dim3A_597 : vector<64x128xi1>, vector<64x128xi32>
    %reduce_min3A_599 = arith.constant dense<2147483647> : vector<64xi32>
    %reduce_min3A_600 = vector.multi_reduction <minsi>, %select_n3A_598, %reduce_min3A_599 [1] : vector<64x128xi32> to vector<64xi32>
    %swap3A_601 = arith.constant 0 : index
    %swap3A_602 = arith.constant 256 : index
    %swap3A_603 = vector.load %arg3[%swap3A_601, %swap3A_602] : memref<1x512xi32, #tpu.memory_space<vmem>>, vector<1x64xi32>
    %swap3A_604 = vector.shape_cast %swap3A_603 : vector<1x64xi32> to vector<64xi32>
    %swap3A_605 = vector.shape_cast %reduce_min3A_600 : vector<64xi32> to vector<1x64xi32>
    tpu.vector_store %arg3[%swap3A_601, %swap3A_602], %swap3A_605 {strides = array<i32>} : memref<1x512xi32, #tpu.memory_space<vmem>>, vector<1x64xi32>,
    %neg3A_606 = arith.constant 0.000000e+00 : f32
    %neg3A_607 = vector.broadcast %neg3A_606 : f32 to vector<64xf32>
    %neg3A_608 = arith.subf %neg3A_607, %reduce_max3A_590 : vector<64xf32>
    %reduce_sum3A_609 = vector.shape_cast %neg3A_608 : vector<64xf32> to vector<1x64xf32>
    %reduce_sum3A_610 = arith.constant dense<0.000000e+00> : vector<1xf32>
    %reduce_sum3A_611 = vector.multi_reduction <add>, %reduce_sum3A_609, %reduce_sum3A_610 [1] : vector<1x64xf32> to vector<1xf32>
    %reduce_sum3A_612 = vector.shape_cast %reduce_sum3A_611 : vector<1xf32> to vector<1x1xf32>
    %reduce_sum3A_613 = vector.extract %reduce_sum3A_612[0, 0] : f32 from vector<1x1xf32>
    %add3A_614 = arith.addf %add3A_494, %reduce_sum3A_613 : f32
    %slice3A_615 = vector.extract_strided_slice %neg3A_19 {offsets = [320, 0], sizes = [64, 1], strides = [1, 1]} : vector<512x1xf32> to vector<64x1xf32>
    %slice3A_616 = vector.extract_strided_slice %get3A_23 {offsets = [0], sizes = [128], strides = [1]} : vector<1024xf32> to vector<128xf32>
    %broadcast_in_dim3A_617 = vector.shape_cast %slice3A_616 : vector<128xf32> to vector<1x128xf32>
    %sub3A_618 = vector.broadcast %slice3A_615 : vector<64x1xf32> to vector<64x128xf32>
    %sub3A_619 = vector.broadcast %broadcast_in_dim3A_617 : vector<1x128xf32> to vector<64x128xf32>
    %sub3A_620 = arith.subf %sub3A_618, %sub3A_619 : vector<64x128xf32>
    %slice3A_621 = vector.extract_strided_slice %dot_general3A_7 {offsets = [320, 0], sizes = [64, 128], strides = [1, 1]} : vector<512x256xf32> to vector<64x128xf32>
    %add3A_622 = arith.addf %sub3A_620, %slice3A_621 : vector<64x128xf32>
    %broadcast_in_dim3A_623 = arith.constant 0 : i32
    %broadcast_in_dim3A_624 = vector.broadcast %broadcast_in_dim3A_623 : i32 to vector<64x128xi32>
    %slice3A_625 = vector.extract_strided_slice %get3A_23 {offsets = [128], sizes = [128], strides = [1]} : vector<1024xf32> to vector<128xf32>
    %broadcast_in_dim3A_626 = vector.shape_cast %slice3A_625 : vector<128xf32> to vector<1x128xf32>
    %sub3A_627 = vector.broadcast %slice3A_615 : vector<64x1xf32> to vector<64x128xf32>
    %sub3A_628 = vector.broadcast %broadcast_in_dim3A_626 : vector<1x128xf32> to vector<64x128xf32>
    %sub3A_629 = arith.subf %sub3A_627, %sub3A_628 : vector<64x128xf32>
    %slice3A_630 = vector.extract_strided_slice %dot_general3A_7 {offsets = [320, 128], sizes = [64, 128], strides = [1, 1]} : vector<512x256xf32> to vector<64x128xf32>
    %add3A_631 = arith.addf %sub3A_629, %slice3A_630 : vector<64x128xf32>
    %gt3A_632 = arith.cmpf ogt, %add3A_631, %add3A_622 : vector<64x128xf32>
    %select_n3A_633 = arith.select %gt3A_632, %add3A_631, %add3A_622 : vector<64x128xi1>, vector<64x128xf32>
    %jit3A_634 = arith.constant 128 : i32
    %broadcast_in_dim3A_635 = vector.broadcast %jit3A_634 : i32 to vector<64x128xi32>
    %select_n3A_636 = arith.select %gt3A_632, %broadcast_in_dim3A_635, %broadcast_in_dim3A_624 : vector<64x128xi1>, vector<64x128xi32>
    %slice3A_637 = vector.extract_strided_slice %get3A_23 {offsets = [256], sizes = [128], strides = [1]} : vector<1024xf32> to vector<128xf32>
    %broadcast_in_dim3A_638 = vector.shape_cast %slice3A_637 : vector<128xf32> to vector<1x128xf32>
    %sub3A_639 = vector.broadcast %slice3A_615 : vector<64x1xf32> to vector<64x128xf32>
    %sub3A_640 = vector.broadcast %broadcast_in_dim3A_638 : vector<1x128xf32> to vector<64x128xf32>
    %sub3A_641 = arith.subf %sub3A_639, %sub3A_640 : vector<64x128xf32>
    %slice3A_642 = vector.extract_strided_slice %dot_general3A_10 {offsets = [320, 0], sizes = [64, 128], strides = [1, 1]} : vector<512x256xf32> to vector<64x128xf32>
    %add3A_643 = arith.addf %sub3A_641, %slice3A_642 : vector<64x128xf32>
    %gt3A_644 = arith.cmpf ogt, %add3A_643, %select_n3A_633 : vector<64x128xf32>
    %select_n3A_645 = arith.select %gt3A_644, %add3A_643, %select_n3A_633 : vector<64x128xi1>, vector<64x128xf32>
    %jit3A_646 = arith.constant 256 : i32
    %broadcast_in_dim3A_647 = vector.broadcast %jit3A_646 : i32 to vector<64x128xi32>
    %select_n3A_648 = arith.select %gt3A_644, %broadcast_in_dim3A_647, %select_n3A_636 : vector<64x128xi1>, vector<64x128xi32>
    %slice3A_649 = vector.extract_strided_slice %get3A_23 {offsets = [384], sizes = [128], strides = [1]} : vector<1024xf32> to vector<128xf32>
    %broadcast_in_dim3A_650 = vector.shape_cast %slice3A_649 : vector<128xf32> to vector<1x128xf32>
    %sub3A_651 = vector.broadcast %slice3A_615 : vector<64x1xf32> to vector<64x128xf32>
    %sub3A_652 = vector.broadcast %broadcast_in_dim3A_650 : vector<1x128xf32> to vector<64x128xf32>
    %sub3A_653 = arith.subf %sub3A_651, %sub3A_652 : vector<64x128xf32>
    %slice3A_654 = vector.extract_strided_slice %dot_general3A_10 {offsets = [320, 128], sizes = [64, 128], strides = [1, 1]} : vector<512x256xf32> to vector<64x128xf32>
    %add3A_655 = arith.addf %sub3A_653, %slice3A_654 : vector<64x128xf32>
    %gt3A_656 = arith.cmpf ogt, %add3A_655, %select_n3A_645 : vector<64x128xf32>
    %select_n3A_657 = arith.select %gt3A_656, %add3A_655, %select_n3A_645 : vector<64x128xi1>, vector<64x128xf32>
    %jit3A_658 = arith.constant 384 : i32
    %broadcast_in_dim3A_659 = vector.broadcast %jit3A_658 : i32 to vector<64x128xi32>
    %select_n3A_660 = arith.select %gt3A_656, %broadcast_in_dim3A_659, %select_n3A_648 : vector<64x128xi1>, vector<64x128xi32>
    %slice3A_661 = vector.extract_strided_slice %get3A_23 {offsets = [512], sizes = [128], strides = [1]} : vector<1024xf32> to vector<128xf32>
    %broadcast_in_dim3A_662 = vector.shape_cast %slice3A_661 : vector<128xf32> to vector<1x128xf32>
    %sub3A_663 = vector.broadcast %slice3A_615 : vector<64x1xf32> to vector<64x128xf32>
    %sub3A_664 = vector.broadcast %broadcast_in_dim3A_662 : vector<1x128xf32> to vector<64x128xf32>
    %sub3A_665 = arith.subf %sub3A_663, %sub3A_664 : vector<64x128xf32>
    %slice3A_666 = vector.extract_strided_slice %dot_general3A_13 {offsets = [320, 0], sizes = [64, 128], strides = [1, 1]} : vector<512x256xf32> to vector<64x128xf32>
    %add3A_667 = arith.addf %sub3A_665, %slice3A_666 : vector<64x128xf32>
    %gt3A_668 = arith.cmpf ogt, %add3A_667, %select_n3A_657 : vector<64x128xf32>
    %select_n3A_669 = arith.select %gt3A_668, %add3A_667, %select_n3A_657 : vector<64x128xi1>, vector<64x128xf32>
    %jit3A_670 = arith.constant 512 : i32
    %broadcast_in_dim3A_671 = vector.broadcast %jit3A_670 : i32 to vector<64x128xi32>
    %select_n3A_672 = arith.select %gt3A_668, %broadcast_in_dim3A_671, %select_n3A_660 : vector<64x128xi1>, vector<64x128xi32>
    %slice3A_673 = vector.extract_strided_slice %get3A_23 {offsets = [640], sizes = [128], strides = [1]} : vector<1024xf32> to vector<128xf32>
    %broadcast_in_dim3A_674 = vector.shape_cast %slice3A_673 : vector<128xf32> to vector<1x128xf32>
    %sub3A_675 = vector.broadcast %slice3A_615 : vector<64x1xf32> to vector<64x128xf32>
    %sub3A_676 = vector.broadcast %broadcast_in_dim3A_674 : vector<1x128xf32> to vector<64x128xf32>
    %sub3A_677 = arith.subf %sub3A_675, %sub3A_676 : vector<64x128xf32>
    %slice3A_678 = vector.extract_strided_slice %dot_general3A_13 {offsets = [320, 128], sizes = [64, 128], strides = [1, 1]} : vector<512x256xf32> to vector<64x128xf32>
    %add3A_679 = arith.addf %sub3A_677, %slice3A_678 : vector<64x128xf32>
    %gt3A_680 = arith.cmpf ogt, %add3A_679, %select_n3A_669 : vector<64x128xf32>
    %select_n3A_681 = arith.select %gt3A_680, %add3A_679, %select_n3A_669 : vector<64x128xi1>, vector<64x128xf32>
    %jit3A_682 = arith.constant 640 : i32
    %broadcast_in_dim3A_683 = vector.broadcast %jit3A_682 : i32 to vector<64x128xi32>
    %select_n3A_684 = arith.select %gt3A_680, %broadcast_in_dim3A_683, %select_n3A_672 : vector<64x128xi1>, vector<64x128xi32>
    %slice3A_685 = vector.extract_strided_slice %get3A_23 {offsets = [768], sizes = [128], strides = [1]} : vector<1024xf32> to vector<128xf32>
    %broadcast_in_dim3A_686 = vector.shape_cast %slice3A_685 : vector<128xf32> to vector<1x128xf32>
    %sub3A_687 = vector.broadcast %slice3A_615 : vector<64x1xf32> to vector<64x128xf32>
    %sub3A_688 = vector.broadcast %broadcast_in_dim3A_686 : vector<1x128xf32> to vector<64x128xf32>
    %sub3A_689 = arith.subf %sub3A_687, %sub3A_688 : vector<64x128xf32>
    %slice3A_690 = vector.extract_strided_slice %dot_general3A_16 {offsets = [320, 0], sizes = [64, 128], strides = [1, 1]} : vector<512x256xf32> to vector<64x128xf32>
    %add3A_691 = arith.addf %sub3A_689, %slice3A_690 : vector<64x128xf32>
    %gt3A_692 = arith.cmpf ogt, %add3A_691, %select_n3A_681 : vector<64x128xf32>
    %select_n3A_693 = arith.select %gt3A_692, %add3A_691, %select_n3A_681 : vector<64x128xi1>, vector<64x128xf32>
    %jit3A_694 = arith.constant 768 : i32
    %broadcast_in_dim3A_695 = vector.broadcast %jit3A_694 : i32 to vector<64x128xi32>
    %select_n3A_696 = arith.select %gt3A_692, %broadcast_in_dim3A_695, %select_n3A_684 : vector<64x128xi1>, vector<64x128xi32>
    %slice3A_697 = vector.extract_strided_slice %get3A_23 {offsets = [896], sizes = [128], strides = [1]} : vector<1024xf32> to vector<128xf32>
    %broadcast_in_dim3A_698 = vector.shape_cast %slice3A_697 : vector<128xf32> to vector<1x128xf32>
    %sub3A_699 = vector.broadcast %slice3A_615 : vector<64x1xf32> to vector<64x128xf32>
    %sub3A_700 = vector.broadcast %broadcast_in_dim3A_698 : vector<1x128xf32> to vector<64x128xf32>
    %sub3A_701 = arith.subf %sub3A_699, %sub3A_700 : vector<64x128xf32>
    %slice3A_702 = vector.extract_strided_slice %dot_general3A_16 {offsets = [320, 128], sizes = [64, 128], strides = [1, 1]} : vector<512x256xf32> to vector<64x128xf32>
    %add3A_703 = arith.addf %sub3A_701, %slice3A_702 : vector<64x128xf32>
    %gt3A_704 = arith.cmpf ogt, %add3A_703, %select_n3A_693 : vector<64x128xf32>
    %select_n3A_705 = arith.select %gt3A_704, %add3A_703, %select_n3A_693 : vector<64x128xi1>, vector<64x128xf32>
    %jit3A_706 = arith.constant 896 : i32
    %broadcast_in_dim3A_707 = vector.broadcast %jit3A_706 : i32 to vector<64x128xi32>
    %select_n3A_708 = arith.select %gt3A_704, %broadcast_in_dim3A_707, %select_n3A_696 : vector<64x128xi1>, vector<64x128xi32>
    %reduce_max3A_709 = arith.constant dense<0xFF800000> : vector<64xf32>
    %reduce_max3A_710 = vector.multi_reduction <maximumf>, %select_n3A_705, %reduce_max3A_709 [1] : vector<64x128xf32> to vector<64xf32>
    %iota3A_711 = tpu.iota {dimensions = array<i32: 1>} : vector<64x128xi32>
    %add3A_712 = arith.addi %select_n3A_708, %iota3A_711 : vector<64x128xi32>
    %broadcast_in_dim3A_713 = vector.shape_cast %reduce_max3A_710 : vector<64xf32> to vector<64x1xf32>
    %eq3A_714 = vector.broadcast %broadcast_in_dim3A_713 : vector<64x1xf32> to vector<64x128xf32>
    %eq3A_715 = arith.cmpf oeq, %select_n3A_705, %eq3A_714 : vector<64x128xf32>
    %jit3A_716 = arith.constant 1024 : i32
    %broadcast_in_dim3A_717 = vector.broadcast %jit3A_716 : i32 to vector<64x128xi32>
    %select_n3A_718 = arith.select %eq3A_715, %add3A_712, %broadcast_in_dim3A_717 : vector<64x128xi1>, vector<64x128xi32>
    %reduce_min3A_719 = arith.constant dense<2147483647> : vector<64xi32>
    %reduce_min3A_720 = vector.multi_reduction <minsi>, %select_n3A_718, %reduce_min3A_719 [1] : vector<64x128xi32> to vector<64xi32>
    %swap3A_721 = arith.constant 0 : index
    %swap3A_722 = arith.constant 320 : index
    %swap3A_723 = vector.load %arg3[%swap3A_721, %swap3A_722] : memref<1x512xi32, #tpu.memory_space<vmem>>, vector<1x64xi32>
    %swap3A_724 = vector.shape_cast %swap3A_723 : vector<1x64xi32> to vector<64xi32>
    %swap3A_725 = vector.shape_cast %reduce_min3A_720 : vector<64xi32> to vector<1x64xi32>
    tpu.vector_store %arg3[%swap3A_721, %swap3A_722], %swap3A_725 {strides = array<i32>} : memref<1x512xi32, #tpu.memory_space<vmem>>, vector<1x64xi32>,
    %neg3A_726 = arith.constant 0.000000e+00 : f32
    %neg3A_727 = vector.broadcast %neg3A_726 : f32 to vector<64xf32>
    %neg3A_728 = arith.subf %neg3A_727, %reduce_max3A_710 : vector<64xf32>
    %reduce_sum3A_729 = vector.shape_cast %neg3A_728 : vector<64xf32> to vector<1x64xf32>
    %reduce_sum3A_730 = arith.constant dense<0.000000e+00> : vector<1xf32>
    %reduce_sum3A_731 = vector.multi_reduction <add>, %reduce_sum3A_729, %reduce_sum3A_730 [1] : vector<1x64xf32> to vector<1xf32>
    %reduce_sum3A_732 = vector.shape_cast %reduce_sum3A_731 : vector<1xf32> to vector<1x1xf32>
    %reduce_sum3A_733 = vector.extract %reduce_sum3A_732[0, 0] : f32 from vector<1x1xf32>
    %add3A_734 = arith.addf %add3A_614, %reduce_sum3A_733 : f32
    %slice3A_735 = vector.extract_strided_slice %neg3A_19 {offsets = [384, 0], sizes = [64, 1], strides = [1, 1]} : vector<512x1xf32> to vector<64x1xf32>
    %slice3A_736 = vector.extract_strided_slice %get3A_23 {offsets = [0], sizes = [128], strides = [1]} : vector<1024xf32> to vector<128xf32>
    %broadcast_in_dim3A_737 = vector.shape_cast %slice3A_736 : vector<128xf32> to vector<1x128xf32>
    %sub3A_738 = vector.broadcast %slice3A_735 : vector<64x1xf32> to vector<64x128xf32>
    %sub3A_739 = vector.broadcast %broadcast_in_dim3A_737 : vector<1x128xf32> to vector<64x128xf32>
    %sub3A_740 = arith.subf %sub3A_738, %sub3A_739 : vector<64x128xf32>
    %slice3A_741 = vector.extract_strided_slice %dot_general3A_7 {offsets = [384, 0], sizes = [64, 128], strides = [1, 1]} : vector<512x256xf32> to vector<64x128xf32>
    %add3A_742 = arith.addf %sub3A_740, %slice3A_741 : vector<64x128xf32>
    %broadcast_in_dim3A_743 = arith.constant 0 : i32
    %broadcast_in_dim3A_744 = vector.broadcast %broadcast_in_dim3A_743 : i32 to vector<64x128xi32>
    %slice3A_745 = vector.extract_strided_slice %get3A_23 {offsets = [128], sizes = [128], strides = [1]} : vector<1024xf32> to vector<128xf32>
    %broadcast_in_dim3A_746 = vector.shape_cast %slice3A_745 : vector<128xf32> to vector<1x128xf32>
    %sub3A_747 = vector.broadcast %slice3A_735 : vector<64x1xf32> to vector<64x128xf32>
    %sub3A_748 = vector.broadcast %broadcast_in_dim3A_746 : vector<1x128xf32> to vector<64x128xf32>
    %sub3A_749 = arith.subf %sub3A_747, %sub3A_748 : vector<64x128xf32>
    %slice3A_750 = vector.extract_strided_slice %dot_general3A_7 {offsets = [384, 128], sizes = [64, 128], strides = [1, 1]} : vector<512x256xf32> to vector<64x128xf32>
    %add3A_751 = arith.addf %sub3A_749, %slice3A_750 : vector<64x128xf32>
    %gt3A_752 = arith.cmpf ogt, %add3A_751, %add3A_742 : vector<64x128xf32>
    %select_n3A_753 = arith.select %gt3A_752, %add3A_751, %add3A_742 : vector<64x128xi1>, vector<64x128xf32>
    %jit3A_754 = arith.constant 128 : i32
    %broadcast_in_dim3A_755 = vector.broadcast %jit3A_754 : i32 to vector<64x128xi32>
    %select_n3A_756 = arith.select %gt3A_752, %broadcast_in_dim3A_755, %broadcast_in_dim3A_744 : vector<64x128xi1>, vector<64x128xi32>
    %slice3A_757 = vector.extract_strided_slice %get3A_23 {offsets = [256], sizes = [128], strides = [1]} : vector<1024xf32> to vector<128xf32>
    %broadcast_in_dim3A_758 = vector.shape_cast %slice3A_757 : vector<128xf32> to vector<1x128xf32>
    %sub3A_759 = vector.broadcast %slice3A_735 : vector<64x1xf32> to vector<64x128xf32>
    %sub3A_760 = vector.broadcast %broadcast_in_dim3A_758 : vector<1x128xf32> to vector<64x128xf32>
    %sub3A_761 = arith.subf %sub3A_759, %sub3A_760 : vector<64x128xf32>
    %slice3A_762 = vector.extract_strided_slice %dot_general3A_10 {offsets = [384, 0], sizes = [64, 128], strides = [1, 1]} : vector<512x256xf32> to vector<64x128xf32>
    %add3A_763 = arith.addf %sub3A_761, %slice3A_762 : vector<64x128xf32>
    %gt3A_764 = arith.cmpf ogt, %add3A_763, %select_n3A_753 : vector<64x128xf32>
    %select_n3A_765 = arith.select %gt3A_764, %add3A_763, %select_n3A_753 : vector<64x128xi1>, vector<64x128xf32>
    %jit3A_766 = arith.constant 256 : i32
    %broadcast_in_dim3A_767 = vector.broadcast %jit3A_766 : i32 to vector<64x128xi32>
    %select_n3A_768 = arith.select %gt3A_764, %broadcast_in_dim3A_767, %select_n3A_756 : vector<64x128xi1>, vector<64x128xi32>
    %slice3A_769 = vector.extract_strided_slice %get3A_23 {offsets = [384], sizes = [128], strides = [1]} : vector<1024xf32> to vector<128xf32>
    %broadcast_in_dim3A_770 = vector.shape_cast %slice3A_769 : vector<128xf32> to vector<1x128xf32>
    %sub3A_771 = vector.broadcast %slice3A_735 : vector<64x1xf32> to vector<64x128xf32>
    %sub3A_772 = vector.broadcast %broadcast_in_dim3A_770 : vector<1x128xf32> to vector<64x128xf32>
    %sub3A_773 = arith.subf %sub3A_771, %sub3A_772 : vector<64x128xf32>
    %slice3A_774 = vector.extract_strided_slice %dot_general3A_10 {offsets = [384, 128], sizes = [64, 128], strides = [1, 1]} : vector<512x256xf32> to vector<64x128xf32>
    %add3A_775 = arith.addf %sub3A_773, %slice3A_774 : vector<64x128xf32>
    %gt3A_776 = arith.cmpf ogt, %add3A_775, %select_n3A_765 : vector<64x128xf32>
    %select_n3A_777 = arith.select %gt3A_776, %add3A_775, %select_n3A_765 : vector<64x128xi1>, vector<64x128xf32>
    %jit3A_778 = arith.constant 384 : i32
    %broadcast_in_dim3A_779 = vector.broadcast %jit3A_778 : i32 to vector<64x128xi32>
    %select_n3A_780 = arith.select %gt3A_776, %broadcast_in_dim3A_779, %select_n3A_768 : vector<64x128xi1>, vector<64x128xi32>
    %slice3A_781 = vector.extract_strided_slice %get3A_23 {offsets = [512], sizes = [128], strides = [1]} : vector<1024xf32> to vector<128xf32>
    %broadcast_in_dim3A_782 = vector.shape_cast %slice3A_781 : vector<128xf32> to vector<1x128xf32>
    %sub3A_783 = vector.broadcast %slice3A_735 : vector<64x1xf32> to vector<64x128xf32>
    %sub3A_784 = vector.broadcast %broadcast_in_dim3A_782 : vector<1x128xf32> to vector<64x128xf32>
    %sub3A_785 = arith.subf %sub3A_783, %sub3A_784 : vector<64x128xf32>
    %slice3A_786 = vector.extract_strided_slice %dot_general3A_13 {offsets = [384, 0], sizes = [64, 128], strides = [1, 1]} : vector<512x256xf32> to vector<64x128xf32>
    %add3A_787 = arith.addf %sub3A_785, %slice3A_786 : vector<64x128xf32>
    %gt3A_788 = arith.cmpf ogt, %add3A_787, %select_n3A_777 : vector<64x128xf32>
    %select_n3A_789 = arith.select %gt3A_788, %add3A_787, %select_n3A_777 : vector<64x128xi1>, vector<64x128xf32>
    %jit3A_790 = arith.constant 512 : i32
    %broadcast_in_dim3A_791 = vector.broadcast %jit3A_790 : i32 to vector<64x128xi32>
    %select_n3A_792 = arith.select %gt3A_788, %broadcast_in_dim3A_791, %select_n3A_780 : vector<64x128xi1>, vector<64x128xi32>
    %slice3A_793 = vector.extract_strided_slice %get3A_23 {offsets = [640], sizes = [128], strides = [1]} : vector<1024xf32> to vector<128xf32>
    %broadcast_in_dim3A_794 = vector.shape_cast %slice3A_793 : vector<128xf32> to vector<1x128xf32>
    %sub3A_795 = vector.broadcast %slice3A_735 : vector<64x1xf32> to vector<64x128xf32>
    %sub3A_796 = vector.broadcast %broadcast_in_dim3A_794 : vector<1x128xf32> to vector<64x128xf32>
    %sub3A_797 = arith.subf %sub3A_795, %sub3A_796 : vector<64x128xf32>
    %slice3A_798 = vector.extract_strided_slice %dot_general3A_13 {offsets = [384, 128], sizes = [64, 128], strides = [1, 1]} : vector<512x256xf32> to vector<64x128xf32>
    %add3A_799 = arith.addf %sub3A_797, %slice3A_798 : vector<64x128xf32>
    %gt3A_800 = arith.cmpf ogt, %add3A_799, %select_n3A_789 : vector<64x128xf32>
    %select_n3A_801 = arith.select %gt3A_800, %add3A_799, %select_n3A_789 : vector<64x128xi1>, vector<64x128xf32>
    %jit3A_802 = arith.constant 640 : i32
    %broadcast_in_dim3A_803 = vector.broadcast %jit3A_802 : i32 to vector<64x128xi32>
    %select_n3A_804 = arith.select %gt3A_800, %broadcast_in_dim3A_803, %select_n3A_792 : vector<64x128xi1>, vector<64x128xi32>
    %slice3A_805 = vector.extract_strided_slice %get3A_23 {offsets = [768], sizes = [128], strides = [1]} : vector<1024xf32> to vector<128xf32>
    %broadcast_in_dim3A_806 = vector.shape_cast %slice3A_805 : vector<128xf32> to vector<1x128xf32>
    %sub3A_807 = vector.broadcast %slice3A_735 : vector<64x1xf32> to vector<64x128xf32>
    %sub3A_808 = vector.broadcast %broadcast_in_dim3A_806 : vector<1x128xf32> to vector<64x128xf32>
    %sub3A_809 = arith.subf %sub3A_807, %sub3A_808 : vector<64x128xf32>
    %slice3A_810 = vector.extract_strided_slice %dot_general3A_16 {offsets = [384, 0], sizes = [64, 128], strides = [1, 1]} : vector<512x256xf32> to vector<64x128xf32>
    %add3A_811 = arith.addf %sub3A_809, %slice3A_810 : vector<64x128xf32>
    %gt3A_812 = arith.cmpf ogt, %add3A_811, %select_n3A_801 : vector<64x128xf32>
    %select_n3A_813 = arith.select %gt3A_812, %add3A_811, %select_n3A_801 : vector<64x128xi1>, vector<64x128xf32>
    %jit3A_814 = arith.constant 768 : i32
    %broadcast_in_dim3A_815 = vector.broadcast %jit3A_814 : i32 to vector<64x128xi32>
    %select_n3A_816 = arith.select %gt3A_812, %broadcast_in_dim3A_815, %select_n3A_804 : vector<64x128xi1>, vector<64x128xi32>
    %slice3A_817 = vector.extract_strided_slice %get3A_23 {offsets = [896], sizes = [128], strides = [1]} : vector<1024xf32> to vector<128xf32>
    %broadcast_in_dim3A_818 = vector.shape_cast %slice3A_817 : vector<128xf32> to vector<1x128xf32>
    %sub3A_819 = vector.broadcast %slice3A_735 : vector<64x1xf32> to vector<64x128xf32>
    %sub3A_820 = vector.broadcast %broadcast_in_dim3A_818 : vector<1x128xf32> to vector<64x128xf32>
    %sub3A_821 = arith.subf %sub3A_819, %sub3A_820 : vector<64x128xf32>
    %slice3A_822 = vector.extract_strided_slice %dot_general3A_16 {offsets = [384, 128], sizes = [64, 128], strides = [1, 1]} : vector<512x256xf32> to vector<64x128xf32>
    %add3A_823 = arith.addf %sub3A_821, %slice3A_822 : vector<64x128xf32>
    %gt3A_824 = arith.cmpf ogt, %add3A_823, %select_n3A_813 : vector<64x128xf32>
    %select_n3A_825 = arith.select %gt3A_824, %add3A_823, %select_n3A_813 : vector<64x128xi1>, vector<64x128xf32>
    %jit3A_826 = arith.constant 896 : i32
    %broadcast_in_dim3A_827 = vector.broadcast %jit3A_826 : i32 to vector<64x128xi32>
    %select_n3A_828 = arith.select %gt3A_824, %broadcast_in_dim3A_827, %select_n3A_816 : vector<64x128xi1>, vector<64x128xi32>
    %reduce_max3A_829 = arith.constant dense<0xFF800000> : vector<64xf32>
    %reduce_max3A_830 = vector.multi_reduction <maximumf>, %select_n3A_825, %reduce_max3A_829 [1] : vector<64x128xf32> to vector<64xf32>
    %iota3A_831 = tpu.iota {dimensions = array<i32: 1>} : vector<64x128xi32>
    %add3A_832 = arith.addi %select_n3A_828, %iota3A_831 : vector<64x128xi32>
    %broadcast_in_dim3A_833 = vector.shape_cast %reduce_max3A_830 : vector<64xf32> to vector<64x1xf32>
    %eq3A_834 = vector.broadcast %broadcast_in_dim3A_833 : vector<64x1xf32> to vector<64x128xf32>
    %eq3A_835 = arith.cmpf oeq, %select_n3A_825, %eq3A_834 : vector<64x128xf32>
    %jit3A_836 = arith.constant 1024 : i32
    %broadcast_in_dim3A_837 = vector.broadcast %jit3A_836 : i32 to vector<64x128xi32>
    %select_n3A_838 = arith.select %eq3A_835, %add3A_832, %broadcast_in_dim3A_837 : vector<64x128xi1>, vector<64x128xi32>
    %reduce_min3A_839 = arith.constant dense<2147483647> : vector<64xi32>
    %reduce_min3A_840 = vector.multi_reduction <minsi>, %select_n3A_838, %reduce_min3A_839 [1] : vector<64x128xi32> to vector<64xi32>
    %swap3A_841 = arith.constant 0 : index
    %swap3A_842 = arith.constant 384 : index
    %swap3A_843 = vector.load %arg3[%swap3A_841, %swap3A_842] : memref<1x512xi32, #tpu.memory_space<vmem>>, vector<1x64xi32>
    %swap3A_844 = vector.shape_cast %swap3A_843 : vector<1x64xi32> to vector<64xi32>
    %swap3A_845 = vector.shape_cast %reduce_min3A_840 : vector<64xi32> to vector<1x64xi32>
    tpu.vector_store %arg3[%swap3A_841, %swap3A_842], %swap3A_845 {strides = array<i32>} : memref<1x512xi32, #tpu.memory_space<vmem>>, vector<1x64xi32>,
    %neg3A_846 = arith.constant 0.000000e+00 : f32
    %neg3A_847 = vector.broadcast %neg3A_846 : f32 to vector<64xf32>
    %neg3A_848 = arith.subf %neg3A_847, %reduce_max3A_830 : vector<64xf32>
    %reduce_sum3A_849 = vector.shape_cast %neg3A_848 : vector<64xf32> to vector<1x64xf32>
    %reduce_sum3A_850 = arith.constant dense<0.000000e+00> : vector<1xf32>
    %reduce_sum3A_851 = vector.multi_reduction <add>, %reduce_sum3A_849, %reduce_sum3A_850 [1] : vector<1x64xf32> to vector<1xf32>
    %reduce_sum3A_852 = vector.shape_cast %reduce_sum3A_851 : vector<1xf32> to vector<1x1xf32>
    %reduce_sum3A_853 = vector.extract %reduce_sum3A_852[0, 0] : f32 from vector<1x1xf32>
    %add3A_854 = arith.addf %add3A_734, %reduce_sum3A_853 : f32
    %slice3A_855 = vector.extract_strided_slice %neg3A_19 {offsets = [448, 0], sizes = [64, 1], strides = [1, 1]} : vector<512x1xf32> to vector<64x1xf32>
    %slice3A_856 = vector.extract_strided_slice %get3A_23 {offsets = [0], sizes = [128], strides = [1]} : vector<1024xf32> to vector<128xf32>
    %broadcast_in_dim3A_857 = vector.shape_cast %slice3A_856 : vector<128xf32> to vector<1x128xf32>
    %sub3A_858 = vector.broadcast %slice3A_855 : vector<64x1xf32> to vector<64x128xf32>
    %sub3A_859 = vector.broadcast %broadcast_in_dim3A_857 : vector<1x128xf32> to vector<64x128xf32>
    %sub3A_860 = arith.subf %sub3A_858, %sub3A_859 : vector<64x128xf32>
    %slice3A_861 = vector.extract_strided_slice %dot_general3A_7 {offsets = [448, 0], sizes = [64, 128], strides = [1, 1]} : vector<512x256xf32> to vector<64x128xf32>
    %add3A_862 = arith.addf %sub3A_860, %slice3A_861 : vector<64x128xf32>
    %broadcast_in_dim3A_863 = arith.constant 0 : i32
    %broadcast_in_dim3A_864 = vector.broadcast %broadcast_in_dim3A_863 : i32 to vector<64x128xi32>
    %slice3A_865 = vector.extract_strided_slice %get3A_23 {offsets = [128], sizes = [128], strides = [1]} : vector<1024xf32> to vector<128xf32>
    %broadcast_in_dim3A_866 = vector.shape_cast %slice3A_865 : vector<128xf32> to vector<1x128xf32>
    %sub3A_867 = vector.broadcast %slice3A_855 : vector<64x1xf32> to vector<64x128xf32>
    %sub3A_868 = vector.broadcast %broadcast_in_dim3A_866 : vector<1x128xf32> to vector<64x128xf32>
    %sub3A_869 = arith.subf %sub3A_867, %sub3A_868 : vector<64x128xf32>
    %slice3A_870 = vector.extract_strided_slice %dot_general3A_7 {offsets = [448, 128], sizes = [64, 128], strides = [1, 1]} : vector<512x256xf32> to vector<64x128xf32>
    %add3A_871 = arith.addf %sub3A_869, %slice3A_870 : vector<64x128xf32>
    %gt3A_872 = arith.cmpf ogt, %add3A_871, %add3A_862 : vector<64x128xf32>
    %select_n3A_873 = arith.select %gt3A_872, %add3A_871, %add3A_862 : vector<64x128xi1>, vector<64x128xf32>
    %jit3A_874 = arith.constant 128 : i32
    %broadcast_in_dim3A_875 = vector.broadcast %jit3A_874 : i32 to vector<64x128xi32>
    %select_n3A_876 = arith.select %gt3A_872, %broadcast_in_dim3A_875, %broadcast_in_dim3A_864 : vector<64x128xi1>, vector<64x128xi32>
    %slice3A_877 = vector.extract_strided_slice %get3A_23 {offsets = [256], sizes = [128], strides = [1]} : vector<1024xf32> to vector<128xf32>
    %broadcast_in_dim3A_878 = vector.shape_cast %slice3A_877 : vector<128xf32> to vector<1x128xf32>
    %sub3A_879 = vector.broadcast %slice3A_855 : vector<64x1xf32> to vector<64x128xf32>
    %sub3A_880 = vector.broadcast %broadcast_in_dim3A_878 : vector<1x128xf32> to vector<64x128xf32>
    %sub3A_881 = arith.subf %sub3A_879, %sub3A_880 : vector<64x128xf32>
    %slice3A_882 = vector.extract_strided_slice %dot_general3A_10 {offsets = [448, 0], sizes = [64, 128], strides = [1, 1]} : vector<512x256xf32> to vector<64x128xf32>
    %add3A_883 = arith.addf %sub3A_881, %slice3A_882 : vector<64x128xf32>
    %gt3A_884 = arith.cmpf ogt, %add3A_883, %select_n3A_873 : vector<64x128xf32>
    %select_n3A_885 = arith.select %gt3A_884, %add3A_883, %select_n3A_873 : vector<64x128xi1>, vector<64x128xf32>
    %jit3A_886 = arith.constant 256 : i32
    %broadcast_in_dim3A_887 = vector.broadcast %jit3A_886 : i32 to vector<64x128xi32>
    %select_n3A_888 = arith.select %gt3A_884, %broadcast_in_dim3A_887, %select_n3A_876 : vector<64x128xi1>, vector<64x128xi32>
    %slice3A_889 = vector.extract_strided_slice %get3A_23 {offsets = [384], sizes = [128], strides = [1]} : vector<1024xf32> to vector<128xf32>
    %broadcast_in_dim3A_890 = vector.shape_cast %slice3A_889 : vector<128xf32> to vector<1x128xf32>
    %sub3A_891 = vector.broadcast %slice3A_855 : vector<64x1xf32> to vector<64x128xf32>
    %sub3A_892 = vector.broadcast %broadcast_in_dim3A_890 : vector<1x128xf32> to vector<64x128xf32>
    %sub3A_893 = arith.subf %sub3A_891, %sub3A_892 : vector<64x128xf32>
    %slice3A_894 = vector.extract_strided_slice %dot_general3A_10 {offsets = [448, 128], sizes = [64, 128], strides = [1, 1]} : vector<512x256xf32> to vector<64x128xf32>
    %add3A_895 = arith.addf %sub3A_893, %slice3A_894 : vector<64x128xf32>
    %gt3A_896 = arith.cmpf ogt, %add3A_895, %select_n3A_885 : vector<64x128xf32>
    %select_n3A_897 = arith.select %gt3A_896, %add3A_895, %select_n3A_885 : vector<64x128xi1>, vector<64x128xf32>
    %jit3A_898 = arith.constant 384 : i32
    %broadcast_in_dim3A_899 = vector.broadcast %jit3A_898 : i32 to vector<64x128xi32>
    %select_n3A_900 = arith.select %gt3A_896, %broadcast_in_dim3A_899, %select_n3A_888 : vector<64x128xi1>, vector<64x128xi32>
    %slice3A_901 = vector.extract_strided_slice %get3A_23 {offsets = [512], sizes = [128], strides = [1]} : vector<1024xf32> to vector<128xf32>
    %broadcast_in_dim3A_902 = vector.shape_cast %slice3A_901 : vector<128xf32> to vector<1x128xf32>
    %sub3A_903 = vector.broadcast %slice3A_855 : vector<64x1xf32> to vector<64x128xf32>
    %sub3A_904 = vector.broadcast %broadcast_in_dim3A_902 : vector<1x128xf32> to vector<64x128xf32>
    %sub3A_905 = arith.subf %sub3A_903, %sub3A_904 : vector<64x128xf32>
    %slice3A_906 = vector.extract_strided_slice %dot_general3A_13 {offsets = [448, 0], sizes = [64, 128], strides = [1, 1]} : vector<512x256xf32> to vector<64x128xf32>
    %add3A_907 = arith.addf %sub3A_905, %slice3A_906 : vector<64x128xf32>
    %gt3A_908 = arith.cmpf ogt, %add3A_907, %select_n3A_897 : vector<64x128xf32>
    %select_n3A_909 = arith.select %gt3A_908, %add3A_907, %select_n3A_897 : vector<64x128xi1>, vector<64x128xf32>
    %jit3A_910 = arith.constant 512 : i32
    %broadcast_in_dim3A_911 = vector.broadcast %jit3A_910 : i32 to vector<64x128xi32>
    %select_n3A_912 = arith.select %gt3A_908, %broadcast_in_dim3A_911, %select_n3A_900 : vector<64x128xi1>, vector<64x128xi32>
    %slice3A_913 = vector.extract_strided_slice %get3A_23 {offsets = [640], sizes = [128], strides = [1]} : vector<1024xf32> to vector<128xf32>
    %broadcast_in_dim3A_914 = vector.shape_cast %slice3A_913 : vector<128xf32> to vector<1x128xf32>
    %sub3A_915 = vector.broadcast %slice3A_855 : vector<64x1xf32> to vector<64x128xf32>
    %sub3A_916 = vector.broadcast %broadcast_in_dim3A_914 : vector<1x128xf32> to vector<64x128xf32>
    %sub3A_917 = arith.subf %sub3A_915, %sub3A_916 : vector<64x128xf32>
    %slice3A_918 = vector.extract_strided_slice %dot_general3A_13 {offsets = [448, 128], sizes = [64, 128], strides = [1, 1]} : vector<512x256xf32> to vector<64x128xf32>
    %add3A_919 = arith.addf %sub3A_917, %slice3A_918 : vector<64x128xf32>
    %gt3A_920 = arith.cmpf ogt, %add3A_919, %select_n3A_909 : vector<64x128xf32>
    %select_n3A_921 = arith.select %gt3A_920, %add3A_919, %select_n3A_909 : vector<64x128xi1>, vector<64x128xf32>
    %jit3A_922 = arith.constant 640 : i32
    %broadcast_in_dim3A_923 = vector.broadcast %jit3A_922 : i32 to vector<64x128xi32>
    %select_n3A_924 = arith.select %gt3A_920, %broadcast_in_dim3A_923, %select_n3A_912 : vector<64x128xi1>, vector<64x128xi32>
    %slice3A_925 = vector.extract_strided_slice %get3A_23 {offsets = [768], sizes = [128], strides = [1]} : vector<1024xf32> to vector<128xf32>
    %broadcast_in_dim3A_926 = vector.shape_cast %slice3A_925 : vector<128xf32> to vector<1x128xf32>
    %sub3A_927 = vector.broadcast %slice3A_855 : vector<64x1xf32> to vector<64x128xf32>
    %sub3A_928 = vector.broadcast %broadcast_in_dim3A_926 : vector<1x128xf32> to vector<64x128xf32>
    %sub3A_929 = arith.subf %sub3A_927, %sub3A_928 : vector<64x128xf32>
    %slice3A_930 = vector.extract_strided_slice %dot_general3A_16 {offsets = [448, 0], sizes = [64, 128], strides = [1, 1]} : vector<512x256xf32> to vector<64x128xf32>
    %add3A_931 = arith.addf %sub3A_929, %slice3A_930 : vector<64x128xf32>
    %gt3A_932 = arith.cmpf ogt, %add3A_931, %select_n3A_921 : vector<64x128xf32>
    %select_n3A_933 = arith.select %gt3A_932, %add3A_931, %select_n3A_921 : vector<64x128xi1>, vector<64x128xf32>
    %jit3A_934 = arith.constant 768 : i32
    %broadcast_in_dim3A_935 = vector.broadcast %jit3A_934 : i32 to vector<64x128xi32>
    %select_n3A_936 = arith.select %gt3A_932, %broadcast_in_dim3A_935, %select_n3A_924 : vector<64x128xi1>, vector<64x128xi32>
    %slice3A_937 = vector.extract_strided_slice %get3A_23 {offsets = [896], sizes = [128], strides = [1]} : vector<1024xf32> to vector<128xf32>
    %broadcast_in_dim3A_938 = vector.shape_cast %slice3A_937 : vector<128xf32> to vector<1x128xf32>
    %sub3A_939 = vector.broadcast %slice3A_855 : vector<64x1xf32> to vector<64x128xf32>
    %sub3A_940 = vector.broadcast %broadcast_in_dim3A_938 : vector<1x128xf32> to vector<64x128xf32>
    %sub3A_941 = arith.subf %sub3A_939, %sub3A_940 : vector<64x128xf32>
    %slice3A_942 = vector.extract_strided_slice %dot_general3A_16 {offsets = [448, 128], sizes = [64, 128], strides = [1, 1]} : vector<512x256xf32> to vector<64x128xf32>
    %add3A_943 = arith.addf %sub3A_941, %slice3A_942 : vector<64x128xf32>
    %gt3A_944 = arith.cmpf ogt, %add3A_943, %select_n3A_933 : vector<64x128xf32>
    %select_n3A_945 = arith.select %gt3A_944, %add3A_943, %select_n3A_933 : vector<64x128xi1>, vector<64x128xf32>
    %jit3A_946 = arith.constant 896 : i32
    %broadcast_in_dim3A_947 = vector.broadcast %jit3A_946 : i32 to vector<64x128xi32>
    %select_n3A_948 = arith.select %gt3A_944, %broadcast_in_dim3A_947, %select_n3A_936 : vector<64x128xi1>, vector<64x128xi32>
    %reduce_max3A_949 = arith.constant dense<0xFF800000> : vector<64xf32>
    %reduce_max3A_950 = vector.multi_reduction <maximumf>, %select_n3A_945, %reduce_max3A_949 [1] : vector<64x128xf32> to vector<64xf32>
    %iota3A_951 = tpu.iota {dimensions = array<i32: 1>} : vector<64x128xi32>
    %add3A_952 = arith.addi %select_n3A_948, %iota3A_951 : vector<64x128xi32>
    %broadcast_in_dim3A_953 = vector.shape_cast %reduce_max3A_950 : vector<64xf32> to vector<64x1xf32>
    %eq3A_954 = vector.broadcast %broadcast_in_dim3A_953 : vector<64x1xf32> to vector<64x128xf32>
    %eq3A_955 = arith.cmpf oeq, %select_n3A_945, %eq3A_954 : vector<64x128xf32>
    %jit3A_956 = arith.constant 1024 : i32
    %broadcast_in_dim3A_957 = vector.broadcast %jit3A_956 : i32 to vector<64x128xi32>
    %select_n3A_958 = arith.select %eq3A_955, %add3A_952, %broadcast_in_dim3A_957 : vector<64x128xi1>, vector<64x128xi32>
    %reduce_min3A_959 = arith.constant dense<2147483647> : vector<64xi32>
    %reduce_min3A_960 = vector.multi_reduction <minsi>, %select_n3A_958, %reduce_min3A_959 [1] : vector<64x128xi32> to vector<64xi32>
    %swap3A_961 = arith.constant 0 : index
    %swap3A_962 = arith.constant 448 : index
    %swap3A_963 = vector.load %arg3[%swap3A_961, %swap3A_962] : memref<1x512xi32, #tpu.memory_space<vmem>>, vector<1x64xi32>
    %swap3A_964 = vector.shape_cast %swap3A_963 : vector<1x64xi32> to vector<64xi32>
    %swap3A_965 = vector.shape_cast %reduce_min3A_960 : vector<64xi32> to vector<1x64xi32>
    tpu.vector_store %arg3[%swap3A_961, %swap3A_962], %swap3A_965 {strides = array<i32>} : memref<1x512xi32, #tpu.memory_space<vmem>>, vector<1x64xi32>,
    %neg3A_966 = arith.constant 0.000000e+00 : f32
    %neg3A_967 = vector.broadcast %neg3A_966 : f32 to vector<64xf32>
    %neg3A_968 = arith.subf %neg3A_967, %reduce_max3A_950 : vector<64xf32>
    %reduce_sum3A_969 = vector.shape_cast %neg3A_968 : vector<64xf32> to vector<1x64xf32>
    %reduce_sum3A_970 = arith.constant dense<0.000000e+00> : vector<1xf32>
    %reduce_sum3A_971 = vector.multi_reduction <add>, %reduce_sum3A_969, %reduce_sum3A_970 [1] : vector<1x64xf32> to vector<1xf32>
    %reduce_sum3A_972 = vector.shape_cast %reduce_sum3A_971 : vector<1xf32> to vector<1x1xf32>
    %reduce_sum3A_973 = vector.extract %reduce_sum3A_972[0, 0] : f32 from vector<1x1xf32>
    %add3A_974 = arith.addf %add3A_854, %reduce_sum3A_973 : f32
    %get3A_975 = arith.constant 0 : index
    %get3A_976 = memref.load %arg5[%get3A_975] : memref<1xf32, #tpu.memory_space<smem>>
    %add3A_977 = arith.addf %get3A_976, %add3A_974 : f32
    %swap3A_978 = arith.constant 0 : index
    %swap3A_979 = memref.load %arg5[%swap3A_978] : memref<1xf32, #tpu.memory_space<smem>>
    memref.store %add3A_977, %arg5[%swap3A_978] : memref<1xf32, #tpu.memory_space<smem>>
    %eq3A_980 = arith.constant 15 : i32
    %eq3A_981 = arith.cmpi eq, %arg0, %eq3A_980 : i32
    %convert_element_type3A_982 = arith.extui %eq3A_981 : i1 to i32
    %cond3A_983 = arith.constant 0 : i32
    %cond3A_984 = arith.cmpi ne, %convert_element_type3A_982, %cond3A_983 : i32
    scf.if %cond3A_984 {
      %get3A_985 = arith.constant 0 : index
      %get3A_986 = memref.load %arg5[%get3A_985] : memref<1xf32, #tpu.memory_space<smem>>
      %swap3A_987 = arith.constant 0 : index
      %swap3A_988 = arith.constant 0 : index
      %swap3A_989 = memref.load %arg4[%swap3A_987, %swap3A_988] : memref<1x1xf32, #tpu.memory_space<smem>>
      memref.store %get3A_986, %arg4[%swap3A_987, %swap3A_988] : memref<1x1xf32, #tpu.memory_space<smem>>
    } else {
    }
    return
  }
  func.func @transform_0(%arg0: i32) -> (i32, i32) {
    %add3A = arith.constant 0 : i32
    %add3A_0 = arith.addi %arg0, %add3A : i32
    %c0_i32 = arith.constant 0 : i32
    %c0_i32_1 = arith.constant 0 : i32
    return %add3A_0, %c0_i32 : i32, i32
  }
  func.func @transform_1(%arg0: i32) -> (i32, i32) {
    %c0_i32 = arith.constant 0 : i32
    %c0_i32_0 = arith.constant 0 : i32
    %c0_i32_1 = arith.constant 0 : i32
    return %c0_i32, %c0_i32_0 : i32, i32
  }
  func.func @transform_2(%arg0: i32) -> (i32, i32) {
    %c0_i32 = arith.constant 0 : i32
    %c0_i32_0 = arith.constant 0 : i32
    return %c0_i32, %arg0 : i32, i32
  }
  func.func @transform_3(%arg0: i32) -> (i32, i32) {
    %c0_i32 = arith.constant 0 : i32
    %c0_i32_0 = arith.constant 0 : i32
    %c0_i32_1 = arith.constant 0 : i32
    return %c0_i32, %c0_i32_0 : i32, i32
  }
}

</mosaic_0001>

<sc_bundles>
// kernel: kernel.4.cloned.1.call-start
scs
__scs_entry_jumppad:
0x0: {  	(pc) =	sbr.rel $0x88, $3  }
0x1: {  	(tag) =	ssettag $0x0;
	lr =	simm.s32 $0x1  }
0x2: {  	[smem:$0x3F9F] =	sst lr;
	_ =	strace $0xD0000000  }
0x3: {  	_ = 	snop  }
0x4: {  	_ = 	snop  }
0x5: {  	_ = 	snop  }
0x6: {  	_ = 	snop  }
0x7: {  	_ = 	snop  }
__scs_overlays_trampoline_lowered:
0x8: {  	[smem:$0x3FAE] =	sst s0  }
0x9: {  	[smem:$0x3FAF] =	sst s1  }
0xa: {  	[smem:$0x3FB0] =	sst s2  }
0xb: {  	[smem:$0x3FB1] =	sst s3  }
0xc: {  	[smem:$0x3FB2] =	sst s4  }
0xd: {  	[smem:$0x3FB3] =	sst s5  }
0xe: {  	[smem:$0x3FB4] =	sst s6  }
0xf: {  	[smem:$0x3FB5] =	sst s7  }
0x10: {  	[smem:$0x3FB6] =	sst s8  }
0x11: {  	[smem:$0x3FB7] =	sst s9;
	s0 =	simm.s32 @!p0 $0x0  }
0x12: {  	s1 =	sld [smem:$0x3F9D];
	s0 =	simm.s32 @p0 $0x1  }
0x13: {  	[smem:$0x3FB8] =	sst s0;
	s0 =	simm.s32 @!p1 $0x0  }
0x14: {  	s2 =	sld [smem:$0x3F9C];
	s0 =	simm.s32 @p1 $0x1  }
0x15: {  	[smem:$0x3FB9] =	sst s0;
	s0 =	simm.s32 @!p2 $0x0  }
0x16: {  	s3 =	sld [smem:$0x3FDB];
	s0 =	simm.s32 @p2 $0x1  }
0x17: {  	s4 =	simm.s32 $0x1BF5;
	[smem:$0x3FBB] =	sst s0  }
0x18: {  	s0 =	sld [smem:$0x3F9E];
	_ =	swait.ge [sflag:s4], $0x0  }
0x19: {  	s7 =	sld [smem:$0x3F9F]  }
0x1a: {  	s8 =	sadd.s32 $0xFFFFE003, lr  }
0x1b: {  	s9 =	sadd.s32 $0xFFFFFEF7, lr;
	s5 =	simm.s32 $0xFFFFFFFF;
	p2 =	slt.u32 s8, $0xFFFFF086  }
0x1c: {  	p1 =	slt.u32 s9, $0xF7A;
	s5 =	simm.s32 @!p2 $0x0  }
0x1d: {  	s5 =	simm.s32 @p1 $0x1;
	p0 =	seq.s32 s7, s2  }
0x1e: {  	s7 =	smul.u32 @!p0 $0xF7A, s2;
	p2 =	seq.s32 @!p0 s5, $0x0  }
0x1f: {  	s9 =	smul.u32 $0xF7A, s1;
	s8 =	simm.s32 @!p0 $0x1BF5;
	p2 =	por !p2, p0  }
0x20: {  	[sflag:s8] =	ssyncset.s32 @!p0 $0xFFFFF086;
	s6 =	sadd.s32 @!p0 s3, s7;
	s7 =	simm.s32 @!p0 $0x108  }
0x21: {  	s3 =	sadd.s32 s3, s9;
	s6 =	sadd.s32 @!p0 $0x88, s6;
	s7 =	simm.s32 @p2 $0x1082  }
0x22: {  	[simem:s7], [sflag:s8] =	dma.local @!p0 [hbm:s6], $0xF7A  }
0x23: {  	s9 =	sor.u32 $0xD0000000, s2;
	s6 =	simm.s32 $0x108;
	_ =	swait.ge @!p0 [sflag:s8], $0x0  }
0x24: {  	s3 =	sadd.s32 $0x88, s3;
	s6 =	simm.s32 @!p1 $0x1082;
	[sflag:s4] =	ssyncset.s32 $0xFFFFF086  }
0x25: {  	[simem:s6], [sflag:s4] =	dma.local [hbm:s3], $0xF7A  }
0x26: {  	[smem:$0x3F9F] =	sst s1;
	(tag) =	ssettag s2;
	_ =	strace s9  }
0x27: {  	s1 =	sld [smem:$0x3FAF]  }
0x28: {  	s2 =	sld [smem:$0x3FB0]  }
0x29: {  	s4 =	sld [smem:$0x3FB2]  }
0x2a: {  	p0 =	seq.s32 s5, $0x0;
	s5 =	sld [smem:$0x3FB3]  }
0x2b: {  	s6 =	sld [smem:$0x3FB4]  }
0x2c: {  	s7 =	sld [smem:$0x3FB5]  }
0x2d: {  	s3 =	simm.s32 $0x108;
	s8 =	sld [smem:$0x3FB6]  }
0x2e: {  	s3 =	simm.s32 @!p0 $0x1082;
	s9 =	sld [smem:$0x3FB7]  }
0x2f: {  	lr =	sadd.s32 s0, s3;
	s0 =	sld [smem:$0x3FAE]  }
0x30: {  	s3 =	sld [smem:$0x3FB1]  }
0x31: {  	[smem:$0x3FBA] =	sst s10  }
0x32: {  	s10 =	sld [smem:$0x3FB8];
	_ =	sdelay $0x3  }
0x33: {  	p0 =	seq.s32 s10, $0x1;
	s10 =	sld [smem:$0x3FBA];
	_ =	sdelay $0x3  }
0x34: {  	[smem:$0x3FBA] =	sst s10  }
0x35: {  	s10 =	sld [smem:$0x3FB9];
	_ =	sdelay $0x3  }
0x36: {  	p1 =	seq.s32 s10, $0x1;
	s10 =	sld [smem:$0x3FBA];
	_ =	sdelay $0x3  }
0x37: {  	[smem:$0x3FBA] =	sst s10  }
0x38: {  	s10 =	sld [smem:$0x3FBB]  }
0x39: {  	_ = 	snop;
	(pc) =	sbr.ind lr, $3  }
0x3a: {  	_ = 	snop  }
0x3b: {  	_ = 	snop  }
0x3c: {  	p2 =	seq.s32 s10, $0x1;
	s10 =	sld [smem:$0x3FBA]  }
0x3d: {  	_ =	shalt  }
0x3e: {  	_ =	shalt  }
0x3f: {  	_ =	shalt  }
0x40: {  	_ =	shalt  }
0x41: {  	_ =	shalt  }
0x42: {  	_ =	shalt  }
0x43: {  	_ =	shalt  }
0x44: {  	_ =	shalt  }
0x45: {  	_ =	shalt  }
0x46: {  	_ =	shalt  }
0x47: {  	_ =	shalt  }
0x48: {  	_ =	shalt  }
0x49: {  	_ =	shalt  }
0x4a: {  	_ =	shalt  }
0x4b: {  	_ =	shalt  }
0x4c: {  	_ =	shalt  }
0x4d: {  	_ =	shalt  }
0x4e: {  	_ =	shalt  }
0x4f: {  	_ =	shalt  }
0x50: {  	_ =	shalt  }
0x51: {  	_ =	shalt  }
0x52: {  	_ =	shalt  }
0x53: {  	_ =	shalt  }
0x54: {  	_ =	shalt  }
0x55: {  	_ =	shalt  }
0x56: {  	_ =	shalt  }
0x57: {  	_ =	shalt  }
0x58: {  	_ =	shalt  }
0x59: {  	_ =	shalt  }
0x5a: {  	_ =	shalt  }
0x5b: {  	_ =	shalt  }
0x5c: {  	_ =	shalt  }
0x5d: {  	_ =	shalt  }
0x5e: {  	_ =	shalt  }
0x5f: {  	_ =	shalt  }
0x60: {  	_ =	shalt  }
0x61: {  	_ =	shalt  }
0x62: {  	_ =	shalt  }
0x63: {  	_ =	shalt  }
0x64: {  	_ =	shalt  }
0x65: {  	_ =	shalt  }
0x66: {  	_ =	shalt  }
0x67: {  	_ =	shalt  }
0x68: {  	_ =	shalt  }
0x69: {  	_ =	shalt  }
0x6a: {  	_ =	shalt  }
0x6b: {  	_ =	shalt  }
0x6c: {  	_ =	shalt  }
0x6d: {  	_ =	shalt  }
0x6e: {  	_ =	shalt  }
0x6f: {  	_ =	shalt  }
0x70: {  	_ =	shalt  }
0x71: {  	_ =	shalt  }
0x72: {  	_ =	shalt  }
0x73: {  	_ =	shalt  }
0x74: {  	_ =	shalt  }
0x75: {  	_ =	shalt  }
0x76: {  	_ =	shalt  }
0x77: {  	_ =	shalt  }
0x78: {  	_ =	shalt  }
0x79: {  	_ =	shalt  }
0x7a: {  	_ =	shalt  }
0x7b: {  	_ =	shalt  }
0x7c: {  	_ =	shalt  }
0x7d: {  	_ =	shalt  }
0x7e: {  	_ =	shalt  }
0x7f: {  	_ =	shalt  }
0x80: {  	_ =	shalt  }
0x81: {  	_ =	shalt  }
0x82: {  	_ =	shalt  }
0x83: {  	_ =	shalt  }
0x84: {  	_ =	shalt  }
0x85: {  	_ =	shalt  }
0x86: {  	_ =	shalt  }
0x87: {  	_ =	shalt  }
.Lfunc_end0:
.L_simem_size_0:
called_computation_lowered:
.L_overlay_start_0:
0x88: {  	s2 =	sld [smem:$0x3FD9]  }
0x89: {  	s3 =	sld [smem:$0x3FFE];
	_ =	sdelay $0x1  }
0x8a: {  	s1 =	srdreg.scid  }
0x8b: {  	s0 =	sand.u32 $0x1, s1  }
0x8c: {  	s14 =	sshll.u32 s0, $0xA;
	s2 =	sadd.s32 s3, s2  }
0x8d: {  	s2 =	sadd.s32 s2, s14  }
0x8e: {  	[smem:$0x3FC6] =	sst s2  }
0x8f: {  	_ = 	snop  }
0x90: {  	s2 =	sld [smem:$0x3FD0];
	_ =	sdelay $0x2  }
0x91: {  	s4 =	simm.s32 $0xA;
	s5 =	simm.s32 $0x10;
	s15 =	sld [smem:$0x3FC8]  }
0x92: {  	[smem:s5], [sflag:s4] =	dma.local [hbm:s2], $0x1  }
0x93: {  	_ =	swait.eq [sflag:s4], $0x1  }
0x94: {  	[sflag:s4] =	ssyncset.done $0x0  }
0x95: {  	[sflag:s4] =	ssyncadd.s32 $0xFFFFFFFF  }
0x96: {  	s16 =	sld [smem:$0x10];
	(tm) =	ssettm $0x1  }
0x97: {  	s17 =	sld [smem:$0x3FFB];
	_ =	sdelay $0x3  }
0x98: {  	_ =	strace s17  }
0x99: {  	s4 =	sld [smem:$0x3FFC];
	_ =	sdelay $0x3  }
0x9a: {  	_ =	strace s4  }
0x9b: {  	s4 =	sld [smem:$0x3FFD];
	_ =	sdelay $0x3  }
0x9c: {  	_ =	strace s4  }
0x9d: {  	_ =	strace $0x8FFFFFFF  }
0x9e: {  	s18 =	sld [smem:$0x3FDB];
	_ =	sdelay $0x1  }
0x9f: {  	s19 =	simm.s32 $_scs_section_size  }
0xa0: {  	s6 =	simm.s32 $_size__tile_overlayer_lowered;
	s7 =	simm.s32 $_tile_overlayer_lowered  }
0xa1: {  	s22 =	simm.s32 $0x1BFF;
	s21 =	sshll.u32 s7, $0x1;
	s4 =	sadd.s32 s19, s18  }
0xa2: {  	s8 =	simm.s32 $0x0;
	s20 =	sshll.u32 s6, $0x1;
	s6 =	sadd.s32 s21, s4  }
0xa3: {  	[timem:s8], [sflag:s22] =	dma.local [hbm:s6], s20  }
0xa4: {  	_ =	swait.ge [sflag:s22], s20  }
0xa5: {  	s5 =	ssub.s32 $0x0, s20;
	[sflag:s22] =	ssyncset.done $0x0  }
0xa6: {  	[sflag:s22] =	ssyncadd.s32 s5;
	_ =	sdelay $0x1  }
0xa7: {  	s23 =	simm.s32 $0x1B8B  }
0xa8: {  	_ =	swait.ge [sflag:s23], $0x1  }
0xa9: {  	[sflag:s23] =	ssyncset.done $0x0  }
0xaa: {  	s25 =	simm.s32 $0x1B8E;
	s24 =	sld [smem:$0x3FFE];
	[sflag:s23] =	ssyncadd.s32 $0xFFFFFFFF  }
0xab: {  	s26 =	simm.s32 $execute0_lowered;
	[smem:$0x3FD2] =	sst s25  }
0xac: {  	s6 =	sshll.u32 s26, $0x1;
	_ =	strace $0x80000046;
	[dreg:$0x1] =	wrdreg $0xFFFFFFFF  }
0xad: {  	s28 =	simm.s32 $_size_execute0_lowered;
	s4 =	sadd.s32 s4, s6;
	[dreg:$0x0] =	wrdreg $0x0  }
0xae: {  	s6 =	sshll.u32 s28, $0x1;
	[dreg:$0x2] =	wrdreg s4  }
0xaf: {  	[dreg:$0x3] =	wrdreg s6  }
0xb0: {  	[dreg:$0x4] =	wrdreg $0xC0  }
0xb1: {  	_ =	task [dreg:s8], $0x5FFFF  }
0xb2: {  	[dreg:$0x1] =	wrdreg $0xFFFFFFFF  }
0xb3: {  	[dreg:$0x0] =	wrdreg $0x60  }
0xb4: {  	[dreg:$0x2] =	wrdreg s15  }
0xb5: {  	[dreg:$0x3] =	wrdreg s24  }
0xb6: {  	[dreg:$0x4] =	wrdreg s16  }
0xb7: {  	[dreg:$0x5] =	wrdreg $0x9  }
0xb8: {  	_ =	task.clear_ibuf [dreg:s8], $0x6FFFF;
	_ =	strace $0x90000046  }
0xb9: {  	s29 =	simm.s32 $0x9;
	_ =	strace $0x80000048  }
0xba: {  	_ =	swait.ge [sflag:s29], $0x1  }
0xbb: {  	[sflag:s29] =	ssyncadd.s32 $0xFFFFFFFF  }
0xbc: {  	_ =	strace $0x90000048  }
0xbd: {  	_ =	sfence  }
0xbe: {  	s30 =	sld [smem:$0x0];
	_ =	sdelay $0x2  }
0xbf: {  	s31 =	sshll.u32 s1, $0xD;
	s1 =	sshrl.u32 s1, $0x2  }
0xc0: {  	s3 =	sand.u32 $0x4000, s31;
	s1 =	sadd.s32 s1, s30  }
0xc1: {  	s0 =	sor.u32 s3, s0;
	s1 =	sshll.u32 s1, $0x11  }
0xc2: {  	s0 =	sor.u32 s1, s0  }
0xc3: {  	s0 =	sadd.s32 $0x8F2B, s0  }
0xc4: {  	[sflag:s0] =	ssyncadd.remote.s32 $0x1  }
0xc5: {  	_ =	sfence.sel $0xFFFF  }
0xc6: {  	[dreg:$0x0] =	wrdreg $0xFFFFFFFF;
	(pc) =	sbr.abs _section_cstart, $3  }
0xc7: {  	[dreg:$0x1] =	wrdreg $0xFFFFFFFF  }
0xc8: {  	_ =	task.clear_ibuf [dreg:s8], $0x2FFFF;
	_ =	strace $0x9FFFFFFF  }
0xc9: {  	(tm) =	ssettm $0x7FFFFFFF  }
tec
execute0_lowered:
.L_overlay_start_1:
0x0: {  	(tag) =	ssettag $0x1  }
0x1: {  	s1 =	rddreg [dreg:$0x0]  }
0x2: {  	s0 =	srdreg.scid;
	s2 =	rddreg [dreg:$0x1]  }
0x3: {  	s4 =	stileid.u32;
	s5 =	rddreg [dreg:$0x2];
	s16 =	simm.s32 $0x1  }
0x4: {  	s17 =	simm.s32 $0x2;
	s19 =	simm.s32 $0x1100;
	s20 =	simm.s32 $0x1900  }
0x5: {  	s21 =	simm.s32 $0x2100;
	s22 =	simm.s32 $0x2900;
	s28 =	simm.s32 $0x4900  }
0x6: {  	s29 =	simm.s32 $0x5100;
	s30 =	simm.s32 $0x5900;
	s31 =	simm.s32 $0x6100  }
0x7: {  	s8 =	simm.s32 $0x6900;
	s7 =	simm.s32 $0x7100;
	s9 =	simm.s32 $0x7900  }
0x8: {  	s10 =	simm.s32 $0x8900;
	s11 =	simm.s32 $0x9100;
	s12 =	simm.s32 $0x9900  }
0x9: {  	s13 =	simm.s32 $0xA100;
	s14 =	simm.s32 $0xA900;
	s0 =	sand.u32 $0x1, s0  }
0xa: {  	s15 =	simm.s32 $0xB100;
	s4 =	sshll.u32 s4, $0x8;
	s3 =	sshll.u32 s0, $0xC  }
0xb: {  	s0 =	ssub.s32 $0x2, s0;
	s4 =	sor.u32 s4, s3;
	s3 =	simm.s32 $0x0  }
0xc: {  	s25 =	sshrl.u32 s0, $0x1;
	s6 =	sshrl.u32 s4, $0x3;
	s4 =	sshll.u32 s4, $0x6  }
0xd: {  	[smem:$0x7FF] =	sst s3;
	s2 =	sadd.s32 s6, s2;
	s4 =	sadd.s32 s5, s4  }
0xe: {  	_ =	strace $0x80000047;
	s2 =	sadd.s32 $0xA00, s2;
	[dreg:$0x8] =	wrdreg s4  }
0xf: {  	s0 =	ssub.s32 s0, s25;
	s23 =	sadd.s32 $0x1000, s4;
	[dreg:$0x4] =	wrdreg s2  }
0x10: {  	s25 =	simm.s32 $0x3900;
	s24 =	sadd.s32 $0x2000, s4;
	[dreg:$0x5] =	wrdreg s23  }
0x11: {  	v2 =	vlaneseq.u32;
	s5 =	sadd.s32 $0x100, s1;
	s26 =	sadd.s32 $0x3000, s4;
	[dreg:$0x6] =	wrdreg s24  }
0x12: {  	vm0 =	vmmov $0xffff;
	v1 =	vshrl.u32 v2, $0x3;
	s6 =	smax.u32 s0, $0x1;
	s4 =	simm.s32 $0x4100;
	[dreg:$0x7] =	wrdreg s26  }
0x13: {  	v0 =	vand.u32 $0x7, v2;
	v2 =	vor.u32 $0x8, v2;
	v1 =	vmul.u32 $0x8, v1;
	s23 =	simm.s32 $0x3100;
	s2 =	simm.s32 $0x8100;
	s24 =	simm.s32 $0xB900  }
.LBB2_1:
0x14: {  	s18 =	rddreg [dreg:$0x4];
	s0 =	simm.s32 $0x3  }
0x15: {  	[tilespmem:s3], [sflag:$0x3] =	stream.linear.gather [hbm4b:s18+s3], $0x100, $0x38;
	[tilespmem:$0x10100] =	vst v63  }
0x16: {  	_ =	swait.ge [sflag:s0], $0x100  }
0x17: {  	[sflag:s0] =	ssyncset.done $0x0  }
0x18: {  	[sflag:s0] =	ssyncadd.s32 $0xFFFFFF00  }
0x19: {  	v3 =	vld [tilespmem:$0x0];
	_ =	sdelay $0x4  }
0x1a: {  	v4 =	vshll.u32 v3, $0x2  }
0x1b: {  	v3 =	vand.u32 $0x7, v3;
	v4 =	vand.u32 $0xFFFFFFE0, v4  }
0x1c: {  	v3 =	vor.u32 v3, v4  }
0x1d: {  	v4 =	vperm.xlane v3, v0;
	_ =	sdelay $0x1  }
0x1e: {  	v4 =	vadd.s32 v1, v4;
	_ =	sdelay $0x1  }
0x1f: {  	v3 =	vperm.xlane v3, v2;
	_ =	sdelay $0x1  }
0x20: {  	s18 =	simm.s32 $0x100;
	v3 =	vadd.s32 v1, v3  }
0x21: {  	[tilespmem:s18], [sflag:$0x1] =	stream.indirect_vreg.gather [hbm4b:s1+s3], $0x80, v4, vm0, $0xb8;
	[tilespmem:$0x10100] =	vst v63  }
0x22: {  	s18 =	simm.s32 $0x900  }
0x23: {  	[tilespmem:s18], [sflag:$0x1] =	stream.indirect_vreg.gather [hbm4b:s5+s3], $0x80, v4, vm0, $0xb8;
	[tilespmem:$0x10100] =	vst v63  }
0x24: {  	_ = 	snop  }
0x25: {  	[tilespmem:s19], [sflag:$0x1] =	stream.indirect_vreg.gather [hbm4b:s1+s3], $0x80, v3, vm0, $0xb8;
	[tilespmem:$0x10100] =	vst v63  }
0x26: {  	_ = 	snop  }
0x27: {  	[tilespmem:s20], [sflag:$0x1] =	stream.indirect_vreg.gather [hbm4b:s5+s3], $0x80, v3, vm0, $0xb8;
	[tilespmem:$0x10100] =	vst v63  }
0x28: {  	v3 =	vld [tilespmem:$0x10];
	_ =	sdelay $0x4  }
0x29: {  	v49 =	vshll.u32 v3, $0x2  }
0x2a: {  	v3 =	vand.u32 $0x7, v3;
	v4 =	vand.u32 $0xFFFFFFE0, v49  }
0x2b: {  	v3 =	vor.u32 v3, v4  }
0x2c: {  	v4 =	vperm.xlane v3, v0;
	_ =	sdelay $0x1  }
0x2d: {  	v4 =	vadd.s32 v1, v4;
	_ =	sdelay $0x1  }
0x2e: {  	v3 =	vperm.xlane v3, v2;
	_ =	sdelay $0x1  }
0x2f: {  	v3 =	vadd.s32 v1, v3  }
0x30: {  	[tilespmem:s21], [sflag:$0x1] =	stream.indirect_vreg.gather [hbm4b:s1+s3], $0x80, v4, vm0, $0xb8;
	[tilespmem:$0x10100] =	vst v63  }
0x31: {  	_ = 	snop  }
0x32: {  	[tilespmem:s22], [sflag:$0x1] =	stream.indirect_vreg.gather [hbm4b:s5+s3], $0x80, v4, vm0, $0xb8;
	[tilespmem:$0x10100] =	vst v63  }
0x33: {  	_ = 	snop  }
0x34: {  	[tilespmem:s23], [sflag:$0x1] =	stream.indirect_vreg.gather [hbm4b:s1+s3], $0x80, v3, vm0, $0xb8;
	[tilespmem:$0x10100] =	vst v63  }
0x35: {  	_ = 	snop  }
0x36: {  	[tilespmem:s25], [sflag:$0x1] =	stream.indirect_vreg.gather [hbm4b:s5+s3], $0x80, v3, vm0, $0xb8;
	[tilespmem:$0x10100] =	vst v63  }
0x37: {  	v3 =	vld [tilespmem:$0x20];
	_ =	sdelay $0x4  }
0x38: {  	v50 =	vshll.u32 v3, $0x2  }
0x39: {  	v3 =	vand.u32 $0x7, v3;
	v4 =	vand.u32 $0xFFFFFFE0, v50  }
0x3a: {  	v3 =	vor.u32 v3, v4  }
0x3b: {  	v4 =	vperm.xlane v3, v0;
	_ =	sdelay $0x1  }
0x3c: {  	v4 =	vadd.s32 v1, v4;
	_ =	sdelay $0x1  }
0x3d: {  	v3 =	vperm.xlane v3, v2;
	_ =	sdelay $0x1  }
0x3e: {  	v3 =	vadd.s32 v1, v3  }
0x3f: {  	[tilespmem:s4], [sflag:$0x1] =	stream.indirect_vreg.gather [hbm4b:s1+s3], $0x80, v4, vm0, $0xb8;
	[tilespmem:$0x10100] =	vst v63  }
0x40: {  	_ = 	snop  }
0x41: {  	[tilespmem:s28], [sflag:$0x1] =	stream.indirect_vreg.gather [hbm4b:s5+s3], $0x80, v4, vm0, $0xb8;
	[tilespmem:$0x10100] =	vst v63  }
0x42: {  	_ = 	snop  }
0x43: {  	[tilespmem:s29], [sflag:$0x1] =	stream.indirect_vreg.gather [hbm4b:s1+s3], $0x80, v3, vm0, $0xb8;
	[tilespmem:$0x10100] =	vst v63  }
0x44: {  	_ = 	snop  }
0x45: {  	[tilespmem:s30], [sflag:$0x1] =	stream.indirect_vreg.gather [hbm4b:s5+s3], $0x80, v3, vm0, $0xb8;
	[tilespmem:$0x10100] =	vst v63  }
0x46: {  	v3 =	vld [tilespmem:$0x30];
	_ =	sdelay $0x4  }
0x47: {  	v51 =	vshll.u32 v3, $0x2  }
0x48: {  	v3 =	vand.u32 $0x7, v3;
	v4 =	vand.u32 $0xFFFFFFE0, v51  }
0x49: {  	v3 =	vor.u32 v3, v4  }
0x4a: {  	v4 =	vperm.xlane v3, v0;
	_ =	sdelay $0x1  }
0x4b: {  	v4 =	vadd.s32 v1, v4;
	_ =	sdelay $0x1  }
0x4c: {  	v3 =	vperm.xlane v3, v2;
	_ =	sdelay $0x1  }
0x4d: {  	v3 =	vadd.s32 v1, v3  }
0x4e: {  	[tilespmem:s31], [sflag:$0x1] =	stream.indirect_vreg.gather [hbm4b:s1+s3], $0x80, v4, vm0, $0xb8;
	[tilespmem:$0x10100] =	vst v63  }
0x4f: {  	_ = 	snop  }
0x50: {  	[tilespmem:s8], [sflag:$0x1] =	stream.indirect_vreg.gather [hbm4b:s5+s3], $0x80, v4, vm0, $0xb8;
	[tilespmem:$0x10100] =	vst v63  }
0x51: {  	_ = 	snop  }
0x52: {  	[tilespmem:s7], [sflag:$0x1] =	stream.indirect_vreg.gather [hbm4b:s1+s3], $0x80, v3, vm0, $0xb8;
	[tilespmem:$0x10100] =	vst v63  }
0x53: {  	_ = 	snop  }
0x54: {  	[tilespmem:s9], [sflag:$0x1] =	stream.indirect_vreg.gather [hbm4b:s5+s3], $0x80, v3, vm0, $0xb8;
	[tilespmem:$0x10100] =	vst v63  }
0x55: {  	v3 =	vld [tilespmem:$0x40];
	_ =	sdelay $0x4  }
0x56: {  	v52 =	vshll.u32 v3, $0x2  }
0x57: {  	v3 =	vand.u32 $0x7, v3;
	v4 =	vand.u32 $0xFFFFFFE0, v52  }
0x58: {  	v3 =	vor.u32 v3, v4  }
0x59: {  	v4 =	vperm.xlane v3, v0;
	_ =	sdelay $0x1  }
0x5a: {  	v4 =	vadd.s32 v1, v4;
	_ =	sdelay $0x1  }
0x5b: {  	v3 =	vperm.xlane v3, v2;
	_ =	sdelay $0x1  }
0x5c: {  	v3 =	vadd.s32 v1, v3  }
0x5d: {  	[tilespmem:s2], [sflag:$0x1] =	stream.indirect_vreg.gather [hbm4b:s1+s3], $0x80, v4, vm0, $0xb8;
	[tilespmem:$0x10100] =	vst v63  }
0x5e: {  	_ = 	snop  }
0x5f: {  	[tilespmem:s10], [sflag:$0x1] =	stream.indirect_vreg.gather [hbm4b:s5+s3], $0x80, v4, vm0, $0xb8;
	[tilespmem:$0x10100] =	vst v63  }
0x60: {  	_ = 	snop  }
0x61: {  	[tilespmem:s11], [sflag:$0x1] =	stream.indirect_vreg.gather [hbm4b:s1+s3], $0x80, v3, vm0, $0xb8;
	[tilespmem:$0x10100] =	vst v63  }
0x62: {  	_ = 	snop  }
0x63: {  	[tilespmem:s12], [sflag:$0x1] =	stream.indirect_vreg.gather [hbm4b:s5+s3], $0x80, v3, vm0, $0xb8;
	[tilespmem:$0x10100] =	vst v63  }
0x64: {  	v3 =	vld [tilespmem:$0x50];
	_ =	sdelay $0x4  }
0x65: {  	v53 =	vshll.u32 v3, $0x2  }
0x66: {  	v3 =	vand.u32 $0x7, v3;
	v4 =	vand.u32 $0xFFFFFFE0, v53  }
0x67: {  	v3 =	vor.u32 v3, v4  }
0x68: {  	v4 =	vperm.xlane v3, v0;
	_ =	sdelay $0x1  }
0x69: {  	v4 =	vadd.s32 v1, v4;
	_ =	sdelay $0x1  }
0x6a: {  	v3 =	vperm.xlane v3, v2;
	_ =	sdelay $0x1  }
0x6b: {  	v3 =	vadd.s32 v1, v3  }
0x6c: {  	[tilespmem:s13], [sflag:$0x1] =	stream.indirect_vreg.gather [hbm4b:s1+s3], $0x80, v4, vm0, $0xb8;
	[tilespmem:$0x10100] =	vst v63  }
0x6d: {  	_ = 	snop  }
0x6e: {  	[tilespmem:s14], [sflag:$0x1] =	stream.indirect_vreg.gather [hbm4b:s5+s3], $0x80, v4, vm0, $0xb8;
	[tilespmem:$0x10100] =	vst v63  }
0x6f: {  	_ = 	snop  }
0x70: {  	[tilespmem:s15], [sflag:$0x1] =	stream.indirect_vreg.gather [hbm4b:s1+s3], $0x80, v3, vm0, $0xb8;
	[tilespmem:$0x10100] =	vst v63  }
0x71: {  	_ = 	snop  }
0x72: {  	[tilespmem:s24], [sflag:$0x1] =	stream.indirect_vreg.gather [hbm4b:s5+s3], $0x80, v3, vm0, $0xb8;
	[tilespmem:$0x10100] =	vst v63  }
0x73: {  	v3 =	vld [tilespmem:$0x60];
	_ =	sdelay $0x4  }
0x74: {  	v54 =	vshll.u32 v3, $0x2  }
0x75: {  	v3 =	vand.u32 $0x7, v3;
	v4 =	vand.u32 $0xFFFFFFE0, v54  }
0x76: {  	v3 =	vor.u32 v3, v4  }
0x77: {  	v4 =	vperm.xlane v3, v0;
	_ =	sdelay $0x1  }
0x78: {  	v4 =	vadd.s32 v1, v4;
	_ =	sdelay $0x1  }
0x79: {  	v3 =	vperm.xlane v3, v2;
	_ =	sdelay $0x1  }
0x7a: {  	s26 =	simm.s32 $0xC100;
	v3 =	vadd.s32 v1, v3  }
0x7b: {  	[tilespmem:s26], [sflag:$0x1] =	stream.indirect_vreg.gather [hbm4b:s1+s3], $0x80, v4, vm0, $0xb8;
	[tilespmem:$0x10100] =	vst v63  }
0x7c: {  	s26 =	simm.s32 $0xC900  }
0x7d: {  	[tilespmem:s26], [sflag:$0x1] =	stream.indirect_vreg.gather [hbm4b:s5+s3], $0x80, v4, vm0, $0xb8;
	[tilespmem:$0x10100] =	vst v63  }
0x7e: {  	s26 =	simm.s32 $0xD100  }
0x7f: {  	[tilespmem:s26], [sflag:$0x1] =	stream.indirect_vreg.gather [hbm4b:s1+s3], $0x80, v3, vm0, $0xb8;
	[tilespmem:$0x10100] =	vst v63  }
0x80: {  	s26 =	simm.s32 $0xD900  }
0x81: {  	[tilespmem:s26], [sflag:$0x1] =	stream.indirect_vreg.gather [hbm4b:s5+s3], $0x80, v3, vm0, $0xb8;
	[tilespmem:$0x10100] =	vst v63  }
0x82: {  	v3 =	vld [tilespmem:$0x70];
	_ =	sdelay $0x4  }
0x83: {  	v55 =	vshll.u32 v3, $0x2  }
0x84: {  	v3 =	vand.u32 $0x7, v3;
	v4 =	vand.u32 $0xFFFFFFE0, v55  }
0x85: {  	v3 =	vor.u32 v3, v4  }
0x86: {  	v4 =	vperm.xlane v3, v0;
	_ =	sdelay $0x1  }
0x87: {  	v4 =	vadd.s32 v1, v4;
	_ =	sdelay $0x1  }
0x88: {  	v3 =	vperm.xlane v3, v2;
	_ =	sdelay $0x1  }
0x89: {  	s26 =	simm.s32 $0xE100;
	v3 =	vadd.s32 v1, v3  }
0x8a: {  	[tilespmem:s26], [sflag:$0x1] =	stream.indirect_vreg.gather [hbm4b:s1+s3], $0x80, v4, vm0, $0xb8;
	[tilespmem:$0x10100] =	vst v63  }
0x8b: {  	s26 =	simm.s32 $0xE900  }
0x8c: {  	[tilespmem:s26], [sflag:$0x1] =	stream.indirect_vreg.gather [hbm4b:s5+s3], $0x80, v4, vm0, $0xb8;
	[tilespmem:$0x10100] =	vst v63  }
0x8d: {  	s26 =	simm.s32 $0xF100  }
0x8e: {  	[tilespmem:s26], [sflag:$0x1] =	stream.indirect_vreg.gather [hbm4b:s1+s3], $0x80, v3, vm0, $0xb8;
	[tilespmem:$0x10100] =	vst v63  }
0x8f: {  	s26 =	simm.s32 $0xF900  }
0x90: {  	[tilespmem:s26], [sflag:$0x1] =	stream.indirect_vreg.gather [hbm4b:s5+s3], $0x80, v3, vm0, $0xb8;
	[tilespmem:$0x10100] =	vst v63  }
0x91: {  	_ =	swait.ge [sflag:s16], $0x8000  }
0x92: {  	[sflag:s16] =	ssyncset.done $0x0  }
0x93: {  	s0 =	simm.s32 $0x100;
	s26 =	rddreg [dreg:$0x8];
	[sflag:s16] =	ssyncadd.s32 $0xFFFF8000  }
0x94: {  	[hbm4b:s26+s3] =	stream.linear.scatter [tilespmem:s0], [sflag:$0x2], $0x8000, $0x38;
	[tilespmem:$0x10100] =	vst v63  }
0x95: {  	_ =	swait.ge [sflag:s17], $0x8000  }
0x96: {  	[sflag:s17] =	ssyncset.done $0x0  }
0x97: {  	[sflag:s17] =	ssyncadd.s32 $0xFFFF8000  }
0x98: {  	v3 =	vld [tilespmem:$0x80];
	_ =	sdelay $0x4  }
0x99: {  	v56 =	vshll.u32 v3, $0x2  }
0x9a: {  	v3 =	vand.u32 $0x7, v3;
	v4 =	vand.u32 $0xFFFFFFE0, v56  }
0x9b: {  	v3 =	vor.u32 v3, v4  }
0x9c: {  	v4 =	vperm.xlane v3, v0;
	_ =	sdelay $0x1  }
0x9d: {  	v4 =	vadd.s32 v1, v4;
	_ =	sdelay $0x1  }
0x9e: {  	v3 =	vperm.xlane v3, v2;
	_ =	sdelay $0x1  }
0x9f: {  	v3 =	vadd.s32 v1, v3  }
0xa0: {  	[tilespmem:s0], [sflag:$0x1] =	stream.indirect_vreg.gather [hbm4b:s1+s3], $0x80, v4, vm0, $0xb8;
	[tilespmem:$0x10100] =	vst v63  }
0xa1: {  	_ = 	snop  }
0xa2: {  	[tilespmem:s18], [sflag:$0x1] =	stream.indirect_vreg.gather [hbm4b:s5+s3], $0x80, v4, vm0, $0xb8;
	[tilespmem:$0x10100] =	vst v63  }
0xa3: {  	_ = 	snop  }
0xa4: {  	[tilespmem:s19], [sflag:$0x1] =	stream.indirect_vreg.gather [hbm4b:s1+s3], $0x80, v3, vm0, $0xb8;
	[tilespmem:$0x10100] =	vst v63  }
0xa5: {  	_ = 	snop  }
0xa6: {  	[tilespmem:s20], [sflag:$0x1] =	stream.indirect_vreg.gather [hbm4b:s5+s3], $0x80, v3, vm0, $0xb8;
	[tilespmem:$0x10100] =	vst v63  }
0xa7: {  	v3 =	vld [tilespmem:$0x90];
	_ =	sdelay $0x4  }
0xa8: {  	v57 =	vshll.u32 v3, $0x2  }
0xa9: {  	v3 =	vand.u32 $0x7, v3;
	v4 =	vand.u32 $0xFFFFFFE0, v57  }
0xaa: {  	v3 =	vor.u32 v3, v4  }
0xab: {  	v4 =	vperm.xlane v3, v0;
	_ =	sdelay $0x1  }
0xac: {  	v4 =	vadd.s32 v1, v4;
	_ =	sdelay $0x1  }
0xad: {  	v3 =	vperm.xlane v3, v2;
	_ =	sdelay $0x1  }
0xae: {  	v3 =	vadd.s32 v1, v3  }
0xaf: {  	[tilespmem:s21], [sflag:$0x1] =	stream.indirect_vreg.gather [hbm4b:s1+s3], $0x80, v4, vm0, $0xb8;
	[tilespmem:$0x10100] =	vst v63  }
0xb0: {  	_ = 	snop  }
0xb1: {  	[tilespmem:s22], [sflag:$0x1] =	stream.indirect_vreg.gather [hbm4b:s5+s3], $0x80, v4, vm0, $0xb8;
	[tilespmem:$0x10100] =	vst v63  }
0xb2: {  	_ = 	snop  }
0xb3: {  	[tilespmem:s23], [sflag:$0x1] =	stream.indirect_vreg.gather [hbm4b:s1+s3], $0x80, v3, vm0, $0xb8;
	[tilespmem:$0x10100] =	vst v63  }
0xb4: {  	_ = 	snop  }
0xb5: {  	[tilespmem:s25], [sflag:$0x1] =	stream.indirect_vreg.gather [hbm4b:s5+s3], $0x80, v3, vm0, $0xb8;
	[tilespmem:$0x10100] =	vst v63  }
0xb6: {  	v3 =	vld [tilespmem:$0xA0];
	_ =	sdelay $0x4  }
0xb7: {  	v58 =	vshll.u32 v3, $0x2  }
0xb8: {  	v3 =	vand.u32 $0x7, v3;
	v4 =	vand.u32 $0xFFFFFFE0, v58  }
0xb9: {  	v3 =	vor.u32 v3, v4  }
0xba: {  	v4 =	vperm.xlane v3, v0;
	_ =	sdelay $0x1  }
0xbb: {  	v4 =	vadd.s32 v1, v4;
	_ =	sdelay $0x1  }
0xbc: {  	v3 =	vperm.xlane v3, v2;
	_ =	sdelay $0x1  }
0xbd: {  	v3 =	vadd.s32 v1, v3  }
0xbe: {  	[tilespmem:s4], [sflag:$0x1] =	stream.indirect_vreg.gather [hbm4b:s1+s3], $0x80, v4, vm0, $0xb8;
	[tilespmem:$0x10100] =	vst v63  }
0xbf: {  	_ = 	snop  }
0xc0: {  	[tilespmem:s28], [sflag:$0x1] =	stream.indirect_vreg.gather [hbm4b:s5+s3], $0x80, v4, vm0, $0xb8;
	[tilespmem:$0x10100] =	vst v63  }
0xc1: {  	_ = 	snop  }
0xc2: {  	[tilespmem:s29], [sflag:$0x1] =	stream.indirect_vreg.gather [hbm4b:s1+s3], $0x80, v3, vm0, $0xb8;
	[tilespmem:$0x10100] =	vst v63  }
0xc3: {  	_ = 	snop  }
0xc4: {  	[tilespmem:s30], [sflag:$0x1] =	stream.indirect_vreg.gather [hbm4b:s5+s3], $0x80, v3, vm0, $0xb8;
	[tilespmem:$0x10100] =	vst v63  }
0xc5: {  	v3 =	vld [tilespmem:$0xB0];
	_ =	sdelay $0x4  }
0xc6: {  	v59 =	vshll.u32 v3, $0x2  }
0xc7: {  	v3 =	vand.u32 $0x7, v3;
	v4 =	vand.u32 $0xFFFFFFE0, v59  }
0xc8: {  	v3 =	vor.u32 v3, v4  }
0xc9: {  	v4 =	vperm.xlane v3, v0;
	_ =	sdelay $0x1  }
0xca: {  	v4 =	vadd.s32 v1, v4;
	_ =	sdelay $0x1  }
0xcb: {  	v3 =	vperm.xlane v3, v2;
	_ =	sdelay $0x1  }
0xcc: {  	v3 =	vadd.s32 v1, v3  }
0xcd: {  	[tilespmem:s31], [sflag:$0x1] =	stream.indirect_vreg.gather [hbm4b:s1+s3], $0x80, v4, vm0, $0xb8;
	[tilespmem:$0x10100] =	vst v63  }
0xce: {  	_ = 	snop  }
0xcf: {  	[tilespmem:s8], [sflag:$0x1] =	stream.indirect_vreg.gather [hbm4b:s5+s3], $0x80, v4, vm0, $0xb8;
	[tilespmem:$0x10100] =	vst v63  }
0xd0: {  	_ = 	snop  }
0xd1: {  	[tilespmem:s7], [sflag:$0x1] =	stream.indirect_vreg.gather [hbm4b:s1+s3], $0x80, v3, vm0, $0xb8;
	[tilespmem:$0x10100] =	vst v63  }
0xd2: {  	_ = 	snop  }
0xd3: {  	[tilespmem:s9], [sflag:$0x1] =	stream.indirect_vreg.gather [hbm4b:s5+s3], $0x80, v3, vm0, $0xb8;
	[tilespmem:$0x10100] =	vst v63  }
0xd4: {  	_ =	swait.ge [sflag:s16], $0x8000  }
0xd5: {  	[sflag:s16] =	ssyncset.done $0x0  }
0xd6: {  	s0 =	rddreg [dreg:$0x5];
	[sflag:s16] =	ssyncadd.s32 $0xFFFF8000  }
0xd7: {  	[hbm4b:s0+s3] =	stream.linear.scatter [tilespmem:s2], [sflag:$0x2], $0x8000, $0x38;
	[tilespmem:$0x10100] =	vst v63  }
0xd8: {  	_ =	swait.ge [sflag:s17], $0x8000  }
0xd9: {  	[sflag:s17] =	ssyncset.done $0x0  }
0xda: {  	[sflag:s17] =	ssyncadd.s32 $0xFFFF8000  }
0xdb: {  	v3 =	vld [tilespmem:$0xC0];
	_ =	sdelay $0x4  }
0xdc: {  	v60 =	vshll.u32 v3, $0x2  }
0xdd: {  	v3 =	vand.u32 $0x7, v3;
	v4 =	vand.u32 $0xFFFFFFE0, v60  }
0xde: {  	v3 =	vor.u32 v3, v4  }
0xdf: {  	v4 =	vperm.xlane v3, v0;
	_ =	sdelay $0x1  }
0xe0: {  	v4 =	vadd.s32 v1, v4;
	_ =	sdelay $0x1  }
0xe1: {  	v3 =	vperm.xlane v3, v2;
	_ =	sdelay $0x1  }
0xe2: {  	v3 =	vadd.s32 v1, v3  }
0xe3: {  	[tilespmem:s2], [sflag:$0x1] =	stream.indirect_vreg.gather [hbm4b:s1+s3], $0x80, v4, vm0, $0xb8;
	[tilespmem:$0x10100] =	vst v63  }
0xe4: {  	_ = 	snop  }
0xe5: {  	[tilespmem:s10], [sflag:$0x1] =	stream.indirect_vreg.gather [hbm4b:s5+s3], $0x80, v4, vm0, $0xb8;
	[tilespmem:$0x10100] =	vst v63  }
0xe6: {  	_ = 	snop  }
0xe7: {  	[tilespmem:s11], [sflag:$0x1] =	stream.indirect_vreg.gather [hbm4b:s1+s3], $0x80, v3, vm0, $0xb8;
	[tilespmem:$0x10100] =	vst v63  }
0xe8: {  	_ = 	snop  }
0xe9: {  	[tilespmem:s12], [sflag:$0x1] =	stream.indirect_vreg.gather [hbm4b:s5+s3], $0x80, v3, vm0, $0xb8;
	[tilespmem:$0x10100] =	vst v63  }
0xea: {  	v3 =	vld [tilespmem:$0xD0];
	_ =	sdelay $0x4  }
0xeb: {  	v61 =	vshll.u32 v3, $0x2  }
0xec: {  	v3 =	vand.u32 $0x7, v3;
	v4 =	vand.u32 $0xFFFFFFE0, v61  }
0xed: {  	v3 =	vor.u32 v3, v4  }
0xee: {  	v4 =	vperm.xlane v3, v0;
	_ =	sdelay $0x1  }
0xef: {  	v4 =	vadd.s32 v1, v4;
	_ =	sdelay $0x1  }
0xf0: {  	v3 =	vperm.xlane v3, v2;
	_ =	sdelay $0x1  }
0xf1: {  	v3 =	vadd.s32 v1, v3  }
0xf2: {  	[tilespmem:s13], [sflag:$0x1] =	stream.indirect_vreg.gather [hbm4b:s1+s3], $0x80, v4, vm0, $0xb8;
	[tilespmem:$0x10100] =	vst v63  }
0xf3: {  	_ = 	snop  }
0xf4: {  	[tilespmem:s14], [sflag:$0x1] =	stream.indirect_vreg.gather [hbm4b:s5+s3], $0x80, v4, vm0, $0xb8;
	[tilespmem:$0x10100] =	vst v63  }
0xf5: {  	_ = 	snop  }
0xf6: {  	[tilespmem:s15], [sflag:$0x1] =	stream.indirect_vreg.gather [hbm4b:s1+s3], $0x80, v3, vm0, $0xb8;
	[tilespmem:$0x10100] =	vst v63  }
0xf7: {  	_ = 	snop  }
0xf8: {  	[tilespmem:s24], [sflag:$0x1] =	stream.indirect_vreg.gather [hbm4b:s5+s3], $0x80, v3, vm0, $0xb8;
	[tilespmem:$0x10100] =	vst v63  }
0xf9: {  	v3 =	vld [tilespmem:$0xE0];
	_ =	sdelay $0x4  }
0xfa: {  	v62 =	vshll.u32 v3, $0x2  }
0xfb: {  	v3 =	vand.u32 $0x7, v3;
	v4 =	vand.u32 $0xFFFFFFE0, v62  }
0xfc: {  	v3 =	vor.u32 v3, v4  }
0xfd: {  	v4 =	vperm.xlane v3, v0;
	_ =	sdelay $0x1  }
0xfe: {  	v4 =	vadd.s32 v1, v4;
	_ =	sdelay $0x1  }
0xff: {  	v3 =	vperm.xlane v3, v2;
	_ =	sdelay $0x1  }
0x100: {  	s18 =	simm.s32 $0xC100;
	v3 =	vadd.s32 v1, v3  }
0x101: {  	[tilespmem:s18], [sflag:$0x1] =	stream.indirect_vreg.gather [hbm4b:s1+s3], $0x80, v4, vm0, $0xb8;
	[tilespmem:$0x10100] =	vst v63  }
0x102: {  	s18 =	simm.s32 $0xC900  }
0x103: {  	[tilespmem:s18], [sflag:$0x1] =	stream.indirect_vreg.gather [hbm4b:s5+s3], $0x80, v4, vm0, $0xb8;
	[tilespmem:$0x10100] =	vst v63  }
0x104: {  	s18 =	simm.s32 $0xD100  }
0x105: {  	[tilespmem:s18], [sflag:$0x1] =	stream.indirect_vreg.gather [hbm4b:s1+s3], $0x80, v3, vm0, $0xb8;
	[tilespmem:$0x10100] =	vst v63  }
0x106: {  	s18 =	simm.s32 $0xD900  }
0x107: {  	[tilespmem:s18], [sflag:$0x1] =	stream.indirect_vreg.gather [hbm4b:s5+s3], $0x80, v3, vm0, $0xb8;
	[tilespmem:$0x10100] =	vst v63  }
0x108: {  	v3 =	vld [tilespmem:$0xF0];
	_ =	sdelay $0x4  }
0x109: {  	v63 =	vshll.u32 v3, $0x2  }
0x10a: {  	v3 =	vand.u32 $0x7, v3;
	v4 =	vand.u32 $0xFFFFFFE0, v63  }
0x10b: {  	v3 =	vor.u32 v3, v4  }
0x10c: {  	v4 =	vperm.xlane v3, v0;
	_ =	sdelay $0x1  }
0x10d: {  	v4 =	vadd.s32 v1, v4;
	_ =	sdelay $0x1  }
0x10e: {  	v3 =	vperm.xlane v3, v2;
	_ =	sdelay $0x1  }
0x10f: {  	s18 =	simm.s32 $0xE100;
	v3 =	vadd.s32 v1, v3  }
0x110: {  	[tilespmem:s18], [sflag:$0x1] =	stream.indirect_vreg.gather [hbm4b:s1+s3], $0x80, v4, vm0, $0xb8;
	[tilespmem:$0x10100] =	vst v63  }
0x111: {  	s18 =	simm.s32 $0xE900  }
0x112: {  	[tilespmem:s18], [sflag:$0x1] =	stream.indirect_vreg.gather [hbm4b:s5+s3], $0x80, v4, vm0, $0xb8;
	[tilespmem:$0x10100] =	vst v63  }
0x113: {  	s18 =	simm.s32 $0xF100  }
0x114: {  	[tilespmem:s18], [sflag:$0x1] =	stream.indirect_vreg.gather [hbm4b:s1+s3], $0x80, v3, vm0, $0xb8;
	[tilespmem:$0x10100] =	vst v63  }
0x115: {  	s18 =	simm.s32 $0xF900  }
0x116: {  	[tilespmem:s18], [sflag:$0x1] =	stream.indirect_vreg.gather [hbm4b:s5+s3], $0x80, v3, vm0, $0xb8;
	[tilespmem:$0x10100] =	vst v63  }
0x117: {  	_ =	swait.ge [sflag:s16], $0x8000  }
0x118: {  	[sflag:s16] =	ssyncset.done $0x0  }
0x119: {  	s26 =	simm.s32 $0x100;
	s0 =	rddreg [dreg:$0x6];
	[sflag:s16] =	ssyncadd.s32 $0xFFFF8000  }
0x11a: {  	[hbm4b:s0+s3] =	stream.linear.scatter [tilespmem:s26], [sflag:$0x2], $0x8000, $0x38;
	[tilespmem:$0x10100] =	vst v63  }
0x11b: {  	_ =	swait.ge [sflag:s16], $0x8000  }
0x11c: {  	[sflag:s16] =	ssyncset.done $0x0  }
0x11d: {  	s26 =	rddreg [dreg:$0x7];
	[sflag:s16] =	ssyncadd.s32 $0xFFFF8000  }
0x11e: {  	[hbm4b:s26+s3] =	stream.linear.scatter [tilespmem:s2], [sflag:$0x2], $0x8000, $0x38;
	[tilespmem:$0x10100] =	vst v63  }
0x11f: {  	p0 =	sne.s32 s6, $0x1;
	_ =	swait.ge [sflag:s17], $0x8000  }
.Ltmp0:
0x120: {  	[sflag:s17] =	ssyncset.done $0x0;
	(pc) =	sbr.rel @p0 .LBB2_1-.Ltmp0, $4  }
0x121: {  	[sflag:s17] =	ssyncadd.s32 $0xFFFF8000  }
0x122: {  	_ =	swait.ge [sflag:s17], $0x8000  }
0x123: {  	[sflag:s17] =	ssyncset.done $0x0  }
0x124: {  	s6 =	sadd.s32 $0xFFFFFFFF, s6;
	[sflag:s17] =	ssyncadd.s32 $0xFFFF8000  }
0x125: {  	_ =	sfence.sel $0x180000  }
0x126: {  	[bflag:$0x0] =	sbarrier.arrive $0xFFFF  }
0x127: {  	_ =	strace $0x90000047  }
0x128: {  	s0 =	stileid.u32;
	[bflag:$0x2] =	sbarrier.arrive $0xFFFF  }
0x129: {  	p0 =	sne.s32 s0, $0x0;
	s0 =	rddreg [dreg:$0x3]  }
0x12a: {  	s0 =	sadd.s32 @!p0 $0x100000, s0  }
0x12b: {  	[sflag:s0] =	ssyncadd.tile.s32 @!p0 $0x1;
	_ =	shalt  }
.Lfunc_end2:
_tile_overlayer_lowered:
.L_overlay_start_2:
0x12c: {  	(tag) =	ssettag $0x2  }
0x12d: {  	s0 =	rddreg [dreg:$0x0];
	s2 =	stileid.u32  }
0x12e: {  	s1 =	rddreg [dreg:$0x1];
	p0 =	sne.s32 s2, $0x0  }
0x12f: {  	s3 =	rddreg [dreg:$0x2];
	[bflag:$0x3] =	sbarrier.arrive $0xFFFF;
	s2 =	simm.s32 @!p0 $0x1C03  }
0x130: {  	[timem:s3], [sflag:s2] =	dma.local @!p0 [hbm:s0], s1  }
0x131: {  	s0 =	simm.s32 @!p0 $0x3  }
0x132: {  	_ =	swait.ge @!p0 [sflag:s0], s1  }
0x133: {  	s1 =	ssub.s32 @!p0 $0x0, s1;
	[sflag:s0] =	ssyncset.done @!p0 $0x0  }
0x134: {  	[sflag:s0] =	ssyncadd.s32 @!p0 s1  }
0x135: {  	[bflag:$0x3] =	sbarrier.arrive $0xFFFF  }
0x136: {  	_ =	shalt  }

</sc_bundles>
